<compile_context>
chip_gen: v7x
topology: tpu7x:2x2x1
jax: 0.10.2.dev20260603
libtpu: 0.0.44.dev20260713+nightly
codegen_flags: <defaults>
</compile_context>

<pallas_src>
import functools

import jax
import jax.numpy as jnp
from jax import lax
from jax.experimental import pallas as pl
from jax.experimental.pallas import tpu as pltpu, tpu_sc as plsc

NUM_TOKENS = 1000000
DIMS = 64
BATCH = 4
SEQ = 2048

NC, NS = 2, 16
NW = NC * NS
B = BATCH * SEQ
B_PER_W = B // NW
LANES = 16
BLK = 128

_mesh = plsc.VectorSubcoreMesh(core_axis_name="c", subcore_axis_name="s")


@functools.partial(
    pl.kernel,
    mesh=_mesh,
    out_type=jax.ShapeDtypeStruct((BATCH, DIMS, SEQ), jnp.float32),
    scratch_types=[
        pltpu.VMEM((B_PER_W,), jnp.int32),
        pltpu.VMEM((DIMS, BLK), jnp.float32),
        pltpu.VMEM((DIMS, BLK), jnp.float32),
        pltpu.VMEM((DIMS, B_PER_W), jnp.float32),
        pltpu.SemaphoreType.DMA,
    ],
    compiler_params=pltpu.CompilerParams(needs_layout_passes=False),
)
def _blkgather(idx_hbm, tableT_hbm, out_hbm, idx_v, blk0, blk1, cols_v, sem):
    wid = lax.axis_index("s") * NC + lax.axis_index("c")
    base = wid * B_PER_W
    b = base // SEQ
    s0 = base % SEQ
    pltpu.sync_copy(idx_hbm.at[pl.ds(base, B_PER_W)], idx_v)

    bufs = (blk0, blk1)
    d16 = lax.iota(jnp.int32, LANES)

    def fire(row, buf):
        c0 = pl.multiple_of((row // BLK) * BLK, BLK)
        pltpu.async_copy(tableT_hbm.at[:, pl.ds(c0, BLK)], buf, sem)

    def drain(buf):
        pltpu.make_async_copy(tableT_hbm.at[:, pl.ds(0, BLK)], buf, sem).wait()

    def extract(row, i, buf):
        col = jnp.full((LANES,), row % BLK, jnp.int32)
        pos = jnp.full((LANES,), i, jnp.int32)
        for k in range(DIMS // LANES):
            dk = d16 + (k * LANES)
            vals = plsc.load_gather(buf, [dk, col])
            plsc.store_scatter(cols_v, [dk, pos], vals)

    def body(g, _):
        v = idx_v[pl.ds(g * LANES, LANES)]
        fire(v[0], bufs[0])
        for e in range(LANES):
            i = g * LANES + e
            drain(bufs[e % 2])
            if e + 1 < LANES:
                fire(v[e + 1], bufs[(e + 1) % 2])
            extract(v[e], i, bufs[e % 2])
        return ()

    lax.fori_loop(0, B_PER_W // LANES, body, ())
    pltpu.sync_copy(cols_v, out_hbm.at[b, :, pl.ds(s0, B_PER_W)])


def kernel(tokens, table):
    idx = jnp.reshape(tokens.astype(jnp.int32), (B,))
    out3 = _blkgather(idx, table.T)
    return jnp.transpose(out3, (0, 2, 1))

# --- scband reference (transcript-rebuilt; emitter-appended) ---
"""Pipeline reference for scband-mactitan-27822798144113 (READ-ONLY COPY).

The authoritative reference and input builder live on the scoring server;
editing this copy changes nothing except your own understanding.
"""

import jax, jax.numpy as jnp
import numpy as np

NUM_TOKENS = 1000000
DIMS = 64
BATCH = 4
SEQ = 2048


def setup_inputs(seed: int = 0) -> dict:
    key = jax.random.key(seed)
    k_tok, k_tab = jax.random.split(key)
    tokens = jax.random.randint(k_tok, (BATCH, SEQ), 0, NUM_TOKENS, dtype=jnp.int64 if jax.config.jax_enable_x64 else jnp.int32)
    table = jax.random.normal(k_tab, (NUM_TOKENS, DIMS), dtype=jnp.float32) * 0.02
    return {"tokens": tokens, "table": table}


def reference(tokens, table):
    # Faithful translation of nn.Embedding(num_tokens, dims)(tokens):
    # a row-gather from the embedding table.
    return jnp.take(table, tokens, axis=0)

if __name__ == "__main__":
    import jax
    _d = setup_inputs()
    print(jax.jit(kernel)(*tuple(_d.values())))

</pallas_src>

<mosaic_0001>
#map = affine_map<(d0, d1) -> (0)>
#map1 = affine_map<(d0, d1) -> (0, 0)>
#map2 = affine_map<(d0, d1) -> (0, 0, 0)>
module attributes {stable_mosaic.version = 14 : i64} {
  func.func @_blkgather(%arg0: i32, %arg1: i32, %arg2: memref<8192xi32, #tpu.memory_space<hbm>>, %arg3: memref<64x1000000xf32, #tpu.memory_space<hbm>>, %arg4: memref<4x64x2048xf32, #tpu.memory_space<hbm>>, %arg5: memref<256xi32, #tpu.memory_space<vmem>>, %arg6: memref<64x128xf32, #tpu.memory_space<vmem>>, %arg7: memref<64x128xf32, #tpu.memory_space<vmem>>, %arg8: memref<64x256xf32, #tpu.memory_space<vmem>>, %arg9: memref<!tpu.dma_semaphore, #tpu.memory_space<semaphore_mem>>) attributes {dimension_semantics = [#tpu.dimension_semantics<core_parallel>, #tpu.dimension_semantics<subcore_parallel>], iteration_bounds = array<i64: 2, 16>, scalar_prefetch = 0 : i64, scratch_operands = 5 : i64, tpu.core_type = #tpu.core_type<sc_vector_subcore>, window_params = [{transform_indices = #map}, {transform_indices = #map1}, {transform_indices = #map2}]} {
    %mul3A = arith.constant 2 : i32
    %mul3A_0 = arith.muli %arg1, %mul3A : i32
    %add3A = arith.addi %mul3A_0, %arg0 : i32
    %mul3A_1 = arith.constant 256 : i32
    %mul3A_2 = arith.muli %add3A, %mul3A_1 : i32
    %jit3A = arith.constant 2048 : i32
    %div3A = arith.divsi %mul3A_2, %jit3A : i32
    %sign3A = arith.constant 0 : i32
    %sign3A_3 = arith.cmpi sgt, %mul3A_2, %sign3A : i32
    %sign3A_4 = arith.extui %sign3A_3 : i1 to i32
    %sign3A_5 = arith.constant 0 : i32
    %sign3A_6 = arith.cmpi slt, %mul3A_2, %sign3A_5 : i32
    %sign3A_7 = arith.extui %sign3A_6 : i1 to i32
    %sign3A_8 = arith.subi %sign3A_4, %sign3A_7 : i32
    %sign3A_9 = arith.constant 0 : i32
    %sign3A_10 = arith.cmpi sgt, %jit3A, %sign3A_9 : i32
    %sign3A_11 = arith.extui %sign3A_10 : i1 to i32
    %sign3A_12 = arith.constant 0 : i32
    %sign3A_13 = arith.cmpi slt, %jit3A, %sign3A_12 : i32
    %sign3A_14 = arith.extui %sign3A_13 : i1 to i32
    %sign3A_15 = arith.subi %sign3A_11, %sign3A_14 : i32
    %ne3A = arith.cmpi ne, %sign3A_8, %sign3A_15 : i32
    %rem3A = arith.remsi %mul3A_2, %jit3A : i32
    %ne3A_16 = arith.constant 0 : i32
    %ne3A_17 = arith.cmpi ne, %rem3A, %ne3A_16 : i32
    %and3A = arith.andi %ne3A, %ne3A_17 : i1
    %sub3A = arith.constant 1 : i32
    %sub3A_18 = arith.subi %div3A, %sub3A : i32
    %select_n3A = arith.select %and3A, %sub3A_18, %div3A : i32
    %jit3A_19 = arith.constant 2048 : i32
    %eq3A = arith.constant 0 : i32
    %eq3A_20 = arith.cmpi eq, %jit3A_19, %eq3A : i32
    %jit3A_21 = arith.constant 1 : i32
    %select_n3A_22 = arith.select %eq3A_20, %jit3A_21, %jit3A_19 : i32
    %rem3A_23 = arith.remsi %mul3A_2, %select_n3A_22 : i32
    %ne3A_24 = arith.constant 0 : i32
    %ne3A_25 = arith.cmpi ne, %rem3A_23, %ne3A_24 : i32
    %lt3A = arith.constant 0 : i32
    %lt3A_26 = arith.cmpi slt, %rem3A_23, %lt3A : i32
    %lt3A_27 = arith.constant 0 : i32
    %lt3A_28 = arith.cmpi slt, %select_n3A_22, %lt3A_27 : i32
    %ne3A_29 = arith.xori %lt3A_26, %lt3A_28 : i1
    %and3A_30 = arith.andi %ne3A_29, %ne3A_25 : i1
    %add3A_31 = arith.addi %rem3A_23, %select_n3A_22 : i32
    %select_n3A_32 = arith.select %and3A_30, %add3A_31, %rem3A_23 : i32
    "tpu.region"() ({
      %run_scoped3A = tpu.sem_alloc : memref<!tpu.dma_semaphore, #tpu.memory_space<semaphore_mem>>
      %dma_start3A = tpu.memref_slice %arg2[%mul3A_2] : memref<8192xi32, #tpu.memory_space<hbm>> -> memref<256xi32, #tpu.memory_space<hbm>>
      %dma_start3A_37 = tpu.memref_slice %arg2[%mul3A_2] : memref<8192xi32, #tpu.memory_space<hbm>> -> memref<256xi32, #tpu.memory_space<hbm>>
      tpu.enqueue_dma source(%dma_start3A_37 : memref<256xi32, #tpu.memory_space<hbm>>) target(%arg5 : memref<256xi32, #tpu.memory_space<vmem>>) target_semaphore(%run_scoped3A : memref<!tpu.dma_semaphore, #tpu.memory_space<semaphore_mem>>)
      %dma_wait3A = tpu.memref_slice %arg2[%mul3A_2] : memref<8192xi32, #tpu.memory_space<hbm>> -> memref<256xi32, #tpu.memory_space<hbm>>
      %dma_wait3A_38 = tpu.memref_slice %arg2[%mul3A_2] : memref<8192xi32, #tpu.memory_space<hbm>> -> memref<256xi32, #tpu.memory_space<hbm>>
      tpu.wait_dma2 semaphore(%run_scoped3A : memref<!tpu.dma_semaphore, #tpu.memory_space<semaphore_mem>>) src(%dma_wait3A_38 : memref<256xi32, #tpu.memory_space<hbm>>) dst(%arg5 : memref<256xi32, #tpu.memory_space<vmem>>)
      tpu.yield
    }) : () -> ()
    %iota3A = tpu.iota {dimensions = array<i32: 0>} : vector<16xi32>
    %scan3A = arith.constant 0 : i32
    %scan3A_33 = arith.constant 16 : i32
    %scan3A_34 = arith.addi %scan3A, %scan3A_33 : i32
    %scan3A_35 = arith.constant 1 : i32
    scf.for %scan3A_37 = %scan3A to %scan3A_34 step %scan3A_35  : i32 {
      %mul3A_38 = arith.constant 16 : i32
      %mul3A_39 = arith.muli %scan3A_37, %mul3A_38 : i32
      %get3A = arith.index_cast %mul3A_39 : i32 to index
      %get3A_40 = tpu.vector_load %arg5[%get3A] {strides = array<i32>} : memref<256xi32, #tpu.memory_space<vmem>>, vector<16xi32>,
      %slice3A = vector.extract_strided_slice %get3A_40 {offsets = [0], sizes = [1], strides = [1]} : vector<16xi32> to vector<1xi32>
      %squeeze3A = vector.extract %slice3A[0] : i32 from vector<1xi32>
      %jit3A_41 = arith.constant 128 : i32
      %div3A_42 = arith.divsi %squeeze3A, %jit3A_41 : i32
      %sign3A_43 = arith.constant 0 : i32
      %sign3A_44 = arith.cmpi sgt, %squeeze3A, %sign3A_43 : i32
      %sign3A_45 = arith.extui %sign3A_44 : i1 to i32
      %sign3A_46 = arith.constant 0 : i32
      %sign3A_47 = arith.cmpi slt, %squeeze3A, %sign3A_46 : i32
      %sign3A_48 = arith.extui %sign3A_47 : i1 to i32
      %sign3A_49 = arith.subi %sign3A_45, %sign3A_48 : i32
      %sign3A_50 = arith.constant 0 : i32
      %sign3A_51 = arith.cmpi sgt, %jit3A_41, %sign3A_50 : i32
      %sign3A_52 = arith.extui %sign3A_51 : i1 to i32
      %sign3A_53 = arith.constant 0 : i32
      %sign3A_54 = arith.cmpi slt, %jit3A_41, %sign3A_53 : i32
      %sign3A_55 = arith.extui %sign3A_54 : i1 to i32
      %sign3A_56 = arith.subi %sign3A_52, %sign3A_55 : i32
      %ne3A_57 = arith.cmpi ne, %sign3A_49, %sign3A_56 : i32
      %rem3A_58 = arith.remsi %squeeze3A, %jit3A_41 : i32
      %ne3A_59 = arith.constant 0 : i32
      %ne3A_60 = arith.cmpi ne, %rem3A_58, %ne3A_59 : i32
      %and3A_61 = arith.andi %ne3A_57, %ne3A_60 : i1
      %sub3A_62 = arith.constant 1 : i32
      %sub3A_63 = arith.subi %div3A_42, %sub3A_62 : i32
      %select_n3A_64 = arith.select %and3A_61, %sub3A_63, %div3A_42 : i32
      %mul3A_65 = arith.constant 128 : i32
      %mul3A_66 = arith.muli %select_n3A_64, %mul3A_65 : i32
      %multiple_of3A = tpu.assume_multiple %mul3A_66, 128 : i32
      %dma_start3A = arith.constant 0 : i32
      %dma_start3A_67 = tpu.memref_slice %arg3[%dma_start3A, %multiple_of3A] : memref<64x1000000xf32, #tpu.memory_space<hbm>> -> memref<64x128xf32, #tpu.memory_space<hbm>>
      %dma_start3A_68 = arith.constant 0 : i32
      %dma_start3A_69 = tpu.memref_slice %arg3[%dma_start3A_68, %multiple_of3A] : memref<64x1000000xf32, #tpu.memory_space<hbm>> -> memref<64x128xf32, #tpu.memory_space<hbm>>
      tpu.enqueue_dma source(%dma_start3A_69 : memref<64x128xf32, #tpu.memory_space<hbm>>) target(%arg6 : memref<64x128xf32, #tpu.memory_space<vmem>>) target_semaphore(%arg9 : memref<!tpu.dma_semaphore, #tpu.memory_space<semaphore_mem>>)
      %mul3A_70 = arith.constant 16 : i32
      %mul3A_71 = arith.muli %scan3A_37, %mul3A_70 : i32
      %add3A_72 = arith.constant 0 : i32
      %add3A_73 = arith.addi %mul3A_71, %add3A_72 : i32
      %dma_wait3A = arith.constant 0 : i32
      %dma_wait3A_74 = arith.constant 0 : i32
      %dma_wait3A_75 = tpu.memref_slice %arg3[%dma_wait3A, %dma_wait3A_74] : memref<64x1000000xf32, #tpu.memory_space<hbm>> -> memref<64x128xf32, #tpu.memory_space<hbm>>
      %dma_wait3A_76 = arith.constant 0 : i32
      %dma_wait3A_77 = arith.constant 0 : i32
      %dma_wait3A_78 = tpu.memref_slice %arg3[%dma_wait3A_76, %dma_wait3A_77] : memref<64x1000000xf32, #tpu.memory_space<hbm>> -> memref<64x128xf32, #tpu.memory_space<hbm>>
      tpu.wait_dma2 semaphore(%arg9 : memref<!tpu.dma_semaphore, #tpu.memory_space<semaphore_mem>>) src(%dma_wait3A_78 : memref<64x128xf32, #tpu.memory_space<hbm>>) dst(%arg6 : memref<64x128xf32, #tpu.memory_space<vmem>>)
      %slice3A_79 = vector.extract_strided_slice %get3A_40 {offsets = [1], sizes = [1], strides = [1]} : vector<16xi32> to vector<1xi32>
      %squeeze3A_80 = vector.extract %slice3A_79[0] : i32 from vector<1xi32>
      %jit3A_81 = arith.constant 128 : i32
      %div3A_82 = arith.divsi %squeeze3A_80, %jit3A_81 : i32
      %sign3A_83 = arith.constant 0 : i32
      %sign3A_84 = arith.cmpi sgt, %squeeze3A_80, %sign3A_83 : i32
      %sign3A_85 = arith.extui %sign3A_84 : i1 to i32
      %sign3A_86 = arith.constant 0 : i32
      %sign3A_87 = arith.cmpi slt, %squeeze3A_80, %sign3A_86 : i32
      %sign3A_88 = arith.extui %sign3A_87 : i1 to i32
      %sign3A_89 = arith.subi %sign3A_85, %sign3A_88 : i32
      %sign3A_90 = arith.constant 0 : i32
      %sign3A_91 = arith.cmpi sgt, %jit3A_81, %sign3A_90 : i32
      %sign3A_92 = arith.extui %sign3A_91 : i1 to i32
      %sign3A_93 = arith.constant 0 : i32
      %sign3A_94 = arith.cmpi slt, %jit3A_81, %sign3A_93 : i32
      %sign3A_95 = arith.extui %sign3A_94 : i1 to i32
      %sign3A_96 = arith.subi %sign3A_92, %sign3A_95 : i32
      %ne3A_97 = arith.cmpi ne, %sign3A_89, %sign3A_96 : i32
      %rem3A_98 = arith.remsi %squeeze3A_80, %jit3A_81 : i32
      %ne3A_99 = arith.constant 0 : i32
      %ne3A_100 = arith.cmpi ne, %rem3A_98, %ne3A_99 : i32
      %and3A_101 = arith.andi %ne3A_97, %ne3A_100 : i1
      %sub3A_102 = arith.constant 1 : i32
      %sub3A_103 = arith.subi %div3A_82, %sub3A_102 : i32
      %select_n3A_104 = arith.select %and3A_101, %sub3A_103, %div3A_82 : i32
      %mul3A_105 = arith.constant 128 : i32
      %mul3A_106 = arith.muli %select_n3A_104, %mul3A_105 : i32
      %multiple_of3A_107 = tpu.assume_multiple %mul3A_106, 128 : i32
      %dma_start3A_108 = arith.constant 0 : i32
      %dma_start3A_109 = tpu.memref_slice %arg3[%dma_start3A_108, %multiple_of3A_107] : memref<64x1000000xf32, #tpu.memory_space<hbm>> -> memref<64x128xf32, #tpu.memory_space<hbm>>
      %dma_start3A_110 = arith.constant 0 : i32
      %dma_start3A_111 = tpu.memref_slice %arg3[%dma_start3A_110, %multiple_of3A_107] : memref<64x1000000xf32, #tpu.memory_space<hbm>> -> memref<64x128xf32, #tpu.memory_space<hbm>>
      tpu.enqueue_dma source(%dma_start3A_111 : memref<64x128xf32, #tpu.memory_space<hbm>>) target(%arg7 : memref<64x128xf32, #tpu.memory_space<vmem>>) target_semaphore(%arg9 : memref<!tpu.dma_semaphore, #tpu.memory_space<semaphore_mem>>)
      %slice3A_112 = vector.extract_strided_slice %get3A_40 {offsets = [0], sizes = [1], strides = [1]} : vector<16xi32> to vector<1xi32>
      %squeeze3A_113 = vector.extract %slice3A_112[0] : i32 from vector<1xi32>
      %jit3A_114 = arith.constant 128 : i32
      %eq3A_115 = arith.constant 0 : i32
      %eq3A_116 = arith.cmpi eq, %jit3A_114, %eq3A_115 : i32
      %jit3A_117 = arith.constant 1 : i32
      %select_n3A_118 = arith.select %eq3A_116, %jit3A_117, %jit3A_114 : i32
      %rem3A_119 = arith.remsi %squeeze3A_113, %select_n3A_118 : i32
      %ne3A_120 = arith.constant 0 : i32
      %ne3A_121 = arith.cmpi ne, %rem3A_119, %ne3A_120 : i32
      %lt3A_122 = arith.constant 0 : i32
      %lt3A_123 = arith.cmpi slt, %rem3A_119, %lt3A_122 : i32
      %lt3A_124 = arith.constant 0 : i32
      %lt3A_125 = arith.cmpi slt, %select_n3A_118, %lt3A_124 : i32
      %ne3A_126 = arith.xori %lt3A_123, %lt3A_125 : i1
      %and3A_127 = arith.andi %ne3A_126, %ne3A_121 : i1
      %add3A_128 = arith.addi %rem3A_119, %select_n3A_118 : i32
      %select_n3A_129 = arith.select %and3A_127, %add3A_128, %rem3A_119 : i32
      %broadcast_in_dim3A = vector.broadcast %select_n3A_129 : i32 to vector<16xi32>
      %broadcast_in_dim3A_130 = vector.broadcast %add3A_73 : i32 to vector<16xi32>
      %add3A_131 = arith.constant 0 : i32
      %add3A_132 = vector.broadcast %add3A_131 : i32 to vector<16xi32>
      %add3A_133 = arith.addi %iota3A, %add3A_132 : vector<16xi32>
      %gather3A = tpu.vector_load_idx %arg6[%add3A_133, %broadcast_in_dim3A] : memref<64x128xf32, #tpu.memory_space<vmem>>[vector<16xi32>, vector<16xi32>], vector<16xf32>,
      tpu.vector_store_idx %arg8[%add3A_133, %broadcast_in_dim3A_130], %gather3A : memref<64x256xf32, #tpu.memory_space<vmem>>[vector<16xi32>, vector<16xi32>], vector<16xf32>,
      %add3A_134 = arith.constant 16 : i32
      %add3A_135 = vector.broadcast %add3A_134 : i32 to vector<16xi32>
      %add3A_136 = arith.addi %iota3A, %add3A_135 : vector<16xi32>
      %gather3A_137 = tpu.vector_load_idx %arg6[%add3A_136, %broadcast_in_dim3A] : memref<64x128xf32, #tpu.memory_space<vmem>>[vector<16xi32>, vector<16xi32>], vector<16xf32>,
      tpu.vector_store_idx %arg8[%add3A_136, %broadcast_in_dim3A_130], %gather3A_137 : memref<64x256xf32, #tpu.memory_space<vmem>>[vector<16xi32>, vector<16xi32>], vector<16xf32>,
      %add3A_138 = arith.constant 32 : i32
      %add3A_139 = vector.broadcast %add3A_138 : i32 to vector<16xi32>
      %add3A_140 = arith.addi %iota3A, %add3A_139 : vector<16xi32>
      %gather3A_141 = tpu.vector_load_idx %arg6[%add3A_140, %broadcast_in_dim3A] : memref<64x128xf32, #tpu.memory_space<vmem>>[vector<16xi32>, vector<16xi32>], vector<16xf32>,
      tpu.vector_store_idx %arg8[%add3A_140, %broadcast_in_dim3A_130], %gather3A_141 : memref<64x256xf32, #tpu.memory_space<vmem>>[vector<16xi32>, vector<16xi32>], vector<16xf32>,
      %add3A_142 = arith.constant 48 : i32
      %add3A_143 = vector.broadcast %add3A_142 : i32 to vector<16xi32>
      %add3A_144 = arith.addi %iota3A, %add3A_143 : vector<16xi32>
      %gather3A_145 = tpu.vector_load_idx %arg6[%add3A_144, %broadcast_in_dim3A] : memref<64x128xf32, #tpu.memory_space<vmem>>[vector<16xi32>, vector<16xi32>], vector<16xf32>,
      tpu.vector_store_idx %arg8[%add3A_144, %broadcast_in_dim3A_130], %gather3A_145 : memref<64x256xf32, #tpu.memory_space<vmem>>[vector<16xi32>, vector<16xi32>], vector<16xf32>,
      %mul3A_146 = arith.constant 16 : i32
      %mul3A_147 = arith.muli %scan3A_37, %mul3A_146 : i32
      %add3A_148 = arith.constant 1 : i32
      %add3A_149 = arith.addi %mul3A_147, %add3A_148 : i32
      %dma_wait3A_150 = arith.constant 0 : i32
      %dma_wait3A_151 = arith.constant 0 : i32
      %dma_wait3A_152 = tpu.memref_slice %arg3[%dma_wait3A_150, %dma_wait3A_151] : memref<64x1000000xf32, #tpu.memory_space<hbm>> -> memref<64x128xf32, #tpu.memory_space<hbm>>
      %dma_wait3A_153 = arith.constant 0 : i32
      %dma_wait3A_154 = arith.constant 0 : i32
      %dma_wait3A_155 = tpu.memref_slice %arg3[%dma_wait3A_153, %dma_wait3A_154] : memref<64x1000000xf32, #tpu.memory_space<hbm>> -> memref<64x128xf32, #tpu.memory_space<hbm>>
      tpu.wait_dma2 semaphore(%arg9 : memref<!tpu.dma_semaphore, #tpu.memory_space<semaphore_mem>>) src(%dma_wait3A_155 : memref<64x128xf32, #tpu.memory_space<hbm>>) dst(%arg7 : memref<64x128xf32, #tpu.memory_space<vmem>>)
      %slice3A_156 = vector.extract_strided_slice %get3A_40 {offsets = [2], sizes = [1], strides = [1]} : vector<16xi32> to vector<1xi32>
      %squeeze3A_157 = vector.extract %slice3A_156[0] : i32 from vector<1xi32>
      %jit3A_158 = arith.constant 128 : i32
      %div3A_159 = arith.divsi %squeeze3A_157, %jit3A_158 : i32
      %sign3A_160 = arith.constant 0 : i32
      %sign3A_161 = arith.cmpi sgt, %squeeze3A_157, %sign3A_160 : i32
      %sign3A_162 = arith.extui %sign3A_161 : i1 to i32
      %sign3A_163 = arith.constant 0 : i32
      %sign3A_164 = arith.cmpi slt, %squeeze3A_157, %sign3A_163 : i32
      %sign3A_165 = arith.extui %sign3A_164 : i1 to i32
      %sign3A_166 = arith.subi %sign3A_162, %sign3A_165 : i32
      %sign3A_167 = arith.constant 0 : i32
      %sign3A_168 = arith.cmpi sgt, %jit3A_158, %sign3A_167 : i32
      %sign3A_169 = arith.extui %sign3A_168 : i1 to i32
      %sign3A_170 = arith.constant 0 : i32
      %sign3A_171 = arith.cmpi slt, %jit3A_158, %sign3A_170 : i32
      %sign3A_172 = arith.extui %sign3A_171 : i1 to i32
      %sign3A_173 = arith.subi %sign3A_169, %sign3A_172 : i32
      %ne3A_174 = arith.cmpi ne, %sign3A_166, %sign3A_173 : i32
      %rem3A_175 = arith.remsi %squeeze3A_157, %jit3A_158 : i32
      %ne3A_176 = arith.constant 0 : i32
      %ne3A_177 = arith.cmpi ne, %rem3A_175, %ne3A_176 : i32
      %and3A_178 = arith.andi %ne3A_174, %ne3A_177 : i1
      %sub3A_179 = arith.constant 1 : i32
      %sub3A_180 = arith.subi %div3A_159, %sub3A_179 : i32
      %select_n3A_181 = arith.select %and3A_178, %sub3A_180, %div3A_159 : i32
      %mul3A_182 = arith.constant 128 : i32
      %mul3A_183 = arith.muli %select_n3A_181, %mul3A_182 : i32
      %multiple_of3A_184 = tpu.assume_multiple %mul3A_183, 128 : i32
      %dma_start3A_185 = arith.constant 0 : i32
      %dma_start3A_186 = tpu.memref_slice %arg3[%dma_start3A_185, %multiple_of3A_184] : memref<64x1000000xf32, #tpu.memory_space<hbm>> -> memref<64x128xf32, #tpu.memory_space<hbm>>
      %dma_start3A_187 = arith.constant 0 : i32
      %dma_start3A_188 = tpu.memref_slice %arg3[%dma_start3A_187, %multiple_of3A_184] : memref<64x1000000xf32, #tpu.memory_space<hbm>> -> memref<64x128xf32, #tpu.memory_space<hbm>>
      tpu.enqueue_dma source(%dma_start3A_188 : memref<64x128xf32, #tpu.memory_space<hbm>>) target(%arg6 : memref<64x128xf32, #tpu.memory_space<vmem>>) target_semaphore(%arg9 : memref<!tpu.dma_semaphore, #tpu.memory_space<semaphore_mem>>)
      %slice3A_189 = vector.extract_strided_slice %get3A_40 {offsets = [1], sizes = [1], strides = [1]} : vector<16xi32> to vector<1xi32>
      %squeeze3A_190 = vector.extract %slice3A_189[0] : i32 from vector<1xi32>
      %jit3A_191 = arith.constant 128 : i32
      %eq3A_192 = arith.constant 0 : i32
      %eq3A_193 = arith.cmpi eq, %jit3A_191, %eq3A_192 : i32
      %jit3A_194 = arith.constant 1 : i32
      %select_n3A_195 = arith.select %eq3A_193, %jit3A_194, %jit3A_191 : i32
      %rem3A_196 = arith.remsi %squeeze3A_190, %select_n3A_195 : i32
      %ne3A_197 = arith.constant 0 : i32
      %ne3A_198 = arith.cmpi ne, %rem3A_196, %ne3A_197 : i32
      %lt3A_199 = arith.constant 0 : i32
      %lt3A_200 = arith.cmpi slt, %rem3A_196, %lt3A_199 : i32
      %lt3A_201 = arith.constant 0 : i32
      %lt3A_202 = arith.cmpi slt, %select_n3A_195, %lt3A_201 : i32
      %ne3A_203 = arith.xori %lt3A_200, %lt3A_202 : i1
      %and3A_204 = arith.andi %ne3A_203, %ne3A_198 : i1
      %add3A_205 = arith.addi %rem3A_196, %select_n3A_195 : i32
      %select_n3A_206 = arith.select %and3A_204, %add3A_205, %rem3A_196 : i32
      %broadcast_in_dim3A_207 = vector.broadcast %select_n3A_206 : i32 to vector<16xi32>
      %broadcast_in_dim3A_208 = vector.broadcast %add3A_149 : i32 to vector<16xi32>
      %add3A_209 = arith.constant 0 : i32
      %add3A_210 = vector.broadcast %add3A_209 : i32 to vector<16xi32>
      %add3A_211 = arith.addi %iota3A, %add3A_210 : vector<16xi32>
      %gather3A_212 = tpu.vector_load_idx %arg7[%add3A_211, %broadcast_in_dim3A_207] : memref<64x128xf32, #tpu.memory_space<vmem>>[vector<16xi32>, vector<16xi32>], vector<16xf32>,
      tpu.vector_store_idx %arg8[%add3A_211, %broadcast_in_dim3A_208], %gather3A_212 : memref<64x256xf32, #tpu.memory_space<vmem>>[vector<16xi32>, vector<16xi32>], vector<16xf32>,
      %add3A_213 = arith.constant 16 : i32
      %add3A_214 = vector.broadcast %add3A_213 : i32 to vector<16xi32>
      %add3A_215 = arith.addi %iota3A, %add3A_214 : vector<16xi32>
      %gather3A_216 = tpu.vector_load_idx %arg7[%add3A_215, %broadcast_in_dim3A_207] : memref<64x128xf32, #tpu.memory_space<vmem>>[vector<16xi32>, vector<16xi32>], vector<16xf32>,
      tpu.vector_store_idx %arg8[%add3A_215, %broadcast_in_dim3A_208], %gather3A_216 : memref<64x256xf32, #tpu.memory_space<vmem>>[vector<16xi32>, vector<16xi32>], vector<16xf32>,
      %add3A_217 = arith.constant 32 : i32
      %add3A_218 = vector.broadcast %add3A_217 : i32 to vector<16xi32>
      %add3A_219 = arith.addi %iota3A, %add3A_218 : vector<16xi32>
      %gather3A_220 = tpu.vector_load_idx %arg7[%add3A_219, %broadcast_in_dim3A_207] : memref<64x128xf32, #tpu.memory_space<vmem>>[vector<16xi32>, vector<16xi32>], vector<16xf32>,
      tpu.vector_store_idx %arg8[%add3A_219, %broadcast_in_dim3A_208], %gather3A_220 : memref<64x256xf32, #tpu.memory_space<vmem>>[vector<16xi32>, vector<16xi32>], vector<16xf32>,
      %add3A_221 = arith.constant 48 : i32
      %add3A_222 = vector.broadcast %add3A_221 : i32 to vector<16xi32>
      %add3A_223 = arith.addi %iota3A, %add3A_222 : vector<16xi32>
      %gather3A_224 = tpu.vector_load_idx %arg7[%add3A_223, %broadcast_in_dim3A_207] : memref<64x128xf32, #tpu.memory_space<vmem>>[vector<16xi32>, vector<16xi32>], vector<16xf32>,
      tpu.vector_store_idx %arg8[%add3A_223, %broadcast_in_dim3A_208], %gather3A_224 : memref<64x256xf32, #tpu.memory_space<vmem>>[vector<16xi32>, vector<16xi32>], vector<16xf32>,
      %mul3A_225 = arith.constant 16 : i32
      %mul3A_226 = arith.muli %scan3A_37, %mul3A_225 : i32
      %add3A_227 = arith.constant 2 : i32
      %add3A_228 = arith.addi %mul3A_226, %add3A_227 : i32
      %dma_wait3A_229 = arith.constant 0 : i32
      %dma_wait3A_230 = arith.constant 0 : i32
      %dma_wait3A_231 = tpu.memref_slice %arg3[%dma_wait3A_229, %dma_wait3A_230] : memref<64x1000000xf32, #tpu.memory_space<hbm>> -> memref<64x128xf32, #tpu.memory_space<hbm>>
      %dma_wait3A_232 = arith.constant 0 : i32
      %dma_wait3A_233 = arith.constant 0 : i32
      %dma_wait3A_234 = tpu.memref_slice %arg3[%dma_wait3A_232, %dma_wait3A_233] : memref<64x1000000xf32, #tpu.memory_space<hbm>> -> memref<64x128xf32, #tpu.memory_space<hbm>>
      tpu.wait_dma2 semaphore(%arg9 : memref<!tpu.dma_semaphore, #tpu.memory_space<semaphore_mem>>) src(%dma_wait3A_234 : memref<64x128xf32, #tpu.memory_space<hbm>>) dst(%arg6 : memref<64x128xf32, #tpu.memory_space<vmem>>)
      %slice3A_235 = vector.extract_strided_slice %get3A_40 {offsets = [3], sizes = [1], strides = [1]} : vector<16xi32> to vector<1xi32>
      %squeeze3A_236 = vector.extract %slice3A_235[0] : i32 from vector<1xi32>
      %jit3A_237 = arith.constant 128 : i32
      %div3A_238 = arith.divsi %squeeze3A_236, %jit3A_237 : i32
      %sign3A_239 = arith.constant 0 : i32
      %sign3A_240 = arith.cmpi sgt, %squeeze3A_236, %sign3A_239 : i32
      %sign3A_241 = arith.extui %sign3A_240 : i1 to i32
      %sign3A_242 = arith.constant 0 : i32
      %sign3A_243 = arith.cmpi slt, %squeeze3A_236, %sign3A_242 : i32
      %sign3A_244 = arith.extui %sign3A_243 : i1 to i32
      %sign3A_245 = arith.subi %sign3A_241, %sign3A_244 : i32
      %sign3A_246 = arith.constant 0 : i32
      %sign3A_247 = arith.cmpi sgt, %jit3A_237, %sign3A_246 : i32
      %sign3A_248 = arith.extui %sign3A_247 : i1 to i32
      %sign3A_249 = arith.constant 0 : i32
      %sign3A_250 = arith.cmpi slt, %jit3A_237, %sign3A_249 : i32
      %sign3A_251 = arith.extui %sign3A_250 : i1 to i32
      %sign3A_252 = arith.subi %sign3A_248, %sign3A_251 : i32
      %ne3A_253 = arith.cmpi ne, %sign3A_245, %sign3A_252 : i32
      %rem3A_254 = arith.remsi %squeeze3A_236, %jit3A_237 : i32
      %ne3A_255 = arith.constant 0 : i32
      %ne3A_256 = arith.cmpi ne, %rem3A_254, %ne3A_255 : i32
      %and3A_257 = arith.andi %ne3A_253, %ne3A_256 : i1
      %sub3A_258 = arith.constant 1 : i32
      %sub3A_259 = arith.subi %div3A_238, %sub3A_258 : i32
      %select_n3A_260 = arith.select %and3A_257, %sub3A_259, %div3A_238 : i32
      %mul3A_261 = arith.constant 128 : i32
      %mul3A_262 = arith.muli %select_n3A_260, %mul3A_261 : i32
      %multiple_of3A_263 = tpu.assume_multiple %mul3A_262, 128 : i32
      %dma_start3A_264 = arith.constant 0 : i32
      %dma_start3A_265 = tpu.memref_slice %arg3[%dma_start3A_264, %multiple_of3A_263] : memref<64x1000000xf32, #tpu.memory_space<hbm>> -> memref<64x128xf32, #tpu.memory_space<hbm>>
      %dma_start3A_266 = arith.constant 0 : i32
      %dma_start3A_267 = tpu.memref_slice %arg3[%dma_start3A_266, %multiple_of3A_263] : memref<64x1000000xf32, #tpu.memory_space<hbm>> -> memref<64x128xf32, #tpu.memory_space<hbm>>
      tpu.enqueue_dma source(%dma_start3A_267 : memref<64x128xf32, #tpu.memory_space<hbm>>) target(%arg7 : memref<64x128xf32, #tpu.memory_space<vmem>>) target_semaphore(%arg9 : memref<!tpu.dma_semaphore, #tpu.memory_space<semaphore_mem>>)
      %slice3A_268 = vector.extract_strided_slice %get3A_40 {offsets = [2], sizes = [1], strides = [1]} : vector<16xi32> to vector<1xi32>
      %squeeze3A_269 = vector.extract %slice3A_268[0] : i32 from vector<1xi32>
      %jit3A_270 = arith.constant 128 : i32
      %eq3A_271 = arith.constant 0 : i32
      %eq3A_272 = arith.cmpi eq, %jit3A_270, %eq3A_271 : i32
      %jit3A_273 = arith.constant 1 : i32
      %select_n3A_274 = arith.select %eq3A_272, %jit3A_273, %jit3A_270 : i32
      %rem3A_275 = arith.remsi %squeeze3A_269, %select_n3A_274 : i32
      %ne3A_276 = arith.constant 0 : i32
      %ne3A_277 = arith.cmpi ne, %rem3A_275, %ne3A_276 : i32
      %lt3A_278 = arith.constant 0 : i32
      %lt3A_279 = arith.cmpi slt, %rem3A_275, %lt3A_278 : i32
      %lt3A_280 = arith.constant 0 : i32
      %lt3A_281 = arith.cmpi slt, %select_n3A_274, %lt3A_280 : i32
      %ne3A_282 = arith.xori %lt3A_279, %lt3A_281 : i1
      %and3A_283 = arith.andi %ne3A_282, %ne3A_277 : i1
      %add3A_284 = arith.addi %rem3A_275, %select_n3A_274 : i32
      %select_n3A_285 = arith.select %and3A_283, %add3A_284, %rem3A_275 : i32
      %broadcast_in_dim3A_286 = vector.broadcast %select_n3A_285 : i32 to vector<16xi32>
      %broadcast_in_dim3A_287 = vector.broadcast %add3A_228 : i32 to vector<16xi32>
      %add3A_288 = arith.constant 0 : i32
      %add3A_289 = vector.broadcast %add3A_288 : i32 to vector<16xi32>
      %add3A_290 = arith.addi %iota3A, %add3A_289 : vector<16xi32>
      %gather3A_291 = tpu.vector_load_idx %arg6[%add3A_290, %broadcast_in_dim3A_286] : memref<64x128xf32, #tpu.memory_space<vmem>>[vector<16xi32>, vector<16xi32>], vector<16xf32>,
      tpu.vector_store_idx %arg8[%add3A_290, %broadcast_in_dim3A_287], %gather3A_291 : memref<64x256xf32, #tpu.memory_space<vmem>>[vector<16xi32>, vector<16xi32>], vector<16xf32>,
      %add3A_292 = arith.constant 16 : i32
      %add3A_293 = vector.broadcast %add3A_292 : i32 to vector<16xi32>
      %add3A_294 = arith.addi %iota3A, %add3A_293 : vector<16xi32>
      %gather3A_295 = tpu.vector_load_idx %arg6[%add3A_294, %broadcast_in_dim3A_286] : memref<64x128xf32, #tpu.memory_space<vmem>>[vector<16xi32>, vector<16xi32>], vector<16xf32>,
      tpu.vector_store_idx %arg8[%add3A_294, %broadcast_in_dim3A_287], %gather3A_295 : memref<64x256xf32, #tpu.memory_space<vmem>>[vector<16xi32>, vector<16xi32>], vector<16xf32>,
      %add3A_296 = arith.constant 32 : i32
      %add3A_297 = vector.broadcast %add3A_296 : i32 to vector<16xi32>
      %add3A_298 = arith.addi %iota3A, %add3A_297 : vector<16xi32>
      %gather3A_299 = tpu.vector_load_idx %arg6[%add3A_298, %broadcast_in_dim3A_286] : memref<64x128xf32, #tpu.memory_space<vmem>>[vector<16xi32>, vector<16xi32>], vector<16xf32>,
      tpu.vector_store_idx %arg8[%add3A_298, %broadcast_in_dim3A_287], %gather3A_299 : memref<64x256xf32, #tpu.memory_space<vmem>>[vector<16xi32>, vector<16xi32>], vector<16xf32>,
      %add3A_300 = arith.constant 48 : i32
      %add3A_301 = vector.broadcast %add3A_300 : i32 to vector<16xi32>
      %add3A_302 = arith.addi %iota3A, %add3A_301 : vector<16xi32>
      %gather3A_303 = tpu.vector_load_idx %arg6[%add3A_302, %broadcast_in_dim3A_286] : memref<64x128xf32, #tpu.memory_space<vmem>>[vector<16xi32>, vector<16xi32>], vector<16xf32>,
      tpu.vector_store_idx %arg8[%add3A_302, %broadcast_in_dim3A_287], %gather3A_303 : memref<64x256xf32, #tpu.memory_space<vmem>>[vector<16xi32>, vector<16xi32>], vector<16xf32>,
      %mul3A_304 = arith.constant 16 : i32
      %mul3A_305 = arith.muli %scan3A_37, %mul3A_304 : i32
      %add3A_306 = arith.constant 3 : i32
      %add3A_307 = arith.addi %mul3A_305, %add3A_306 : i32
      %dma_wait3A_308 = arith.constant 0 : i32
      %dma_wait3A_309 = arith.constant 0 : i32
      %dma_wait3A_310 = tpu.memref_slice %arg3[%dma_wait3A_308, %dma_wait3A_309] : memref<64x1000000xf32, #tpu.memory_space<hbm>> -> memref<64x128xf32, #tpu.memory_space<hbm>>
      %dma_wait3A_311 = arith.constant 0 : i32
      %dma_wait3A_312 = arith.constant 0 : i32
      %dma_wait3A_313 = tpu.memref_slice %arg3[%dma_wait3A_311, %dma_wait3A_312] : memref<64x1000000xf32, #tpu.memory_space<hbm>> -> memref<64x128xf32, #tpu.memory_space<hbm>>
      tpu.wait_dma2 semaphore(%arg9 : memref<!tpu.dma_semaphore, #tpu.memory_space<semaphore_mem>>) src(%dma_wait3A_313 : memref<64x128xf32, #tpu.memory_space<hbm>>) dst(%arg7 : memref<64x128xf32, #tpu.memory_space<vmem>>)
      %slice3A_314 = vector.extract_strided_slice %get3A_40 {offsets = [4], sizes = [1], strides = [1]} : vector<16xi32> to vector<1xi32>
      %squeeze3A_315 = vector.extract %slice3A_314[0] : i32 from vector<1xi32>
      %jit3A_316 = arith.constant 128 : i32
      %div3A_317 = arith.divsi %squeeze3A_315, %jit3A_316 : i32
      %sign3A_318 = arith.constant 0 : i32
      %sign3A_319 = arith.cmpi sgt, %squeeze3A_315, %sign3A_318 : i32
      %sign3A_320 = arith.extui %sign3A_319 : i1 to i32
      %sign3A_321 = arith.constant 0 : i32
      %sign3A_322 = arith.cmpi slt, %squeeze3A_315, %sign3A_321 : i32
      %sign3A_323 = arith.extui %sign3A_322 : i1 to i32
      %sign3A_324 = arith.subi %sign3A_320, %sign3A_323 : i32
      %sign3A_325 = arith.constant 0 : i32
      %sign3A_326 = arith.cmpi sgt, %jit3A_316, %sign3A_325 : i32
      %sign3A_327 = arith.extui %sign3A_326 : i1 to i32
      %sign3A_328 = arith.constant 0 : i32
      %sign3A_329 = arith.cmpi slt, %jit3A_316, %sign3A_328 : i32
      %sign3A_330 = arith.extui %sign3A_329 : i1 to i32
      %sign3A_331 = arith.subi %sign3A_327, %sign3A_330 : i32
      %ne3A_332 = arith.cmpi ne, %sign3A_324, %sign3A_331 : i32
      %rem3A_333 = arith.remsi %squeeze3A_315, %jit3A_316 : i32
      %ne3A_334 = arith.constant 0 : i32
      %ne3A_335 = arith.cmpi ne, %rem3A_333, %ne3A_334 : i32
      %and3A_336 = arith.andi %ne3A_332, %ne3A_335 : i1
      %sub3A_337 = arith.constant 1 : i32
      %sub3A_338 = arith.subi %div3A_317, %sub3A_337 : i32
      %select_n3A_339 = arith.select %and3A_336, %sub3A_338, %div3A_317 : i32
      %mul3A_340 = arith.constant 128 : i32
      %mul3A_341 = arith.muli %select_n3A_339, %mul3A_340 : i32
      %multiple_of3A_342 = tpu.assume_multiple %mul3A_341, 128 : i32
      %dma_start3A_343 = arith.constant 0 : i32
      %dma_start3A_344 = tpu.memref_slice %arg3[%dma_start3A_343, %multiple_of3A_342] : memref<64x1000000xf32, #tpu.memory_space<hbm>> -> memref<64x128xf32, #tpu.memory_space<hbm>>
      %dma_start3A_345 = arith.constant 0 : i32
      %dma_start3A_346 = tpu.memref_slice %arg3[%dma_start3A_345, %multiple_of3A_342] : memref<64x1000000xf32, #tpu.memory_space<hbm>> -> memref<64x128xf32, #tpu.memory_space<hbm>>
      tpu.enqueue_dma source(%dma_start3A_346 : memref<64x128xf32, #tpu.memory_space<hbm>>) target(%arg6 : memref<64x128xf32, #tpu.memory_space<vmem>>) target_semaphore(%arg9 : memref<!tpu.dma_semaphore, #tpu.memory_space<semaphore_mem>>)
      %slice3A_347 = vector.extract_strided_slice %get3A_40 {offsets = [3], sizes = [1], strides = [1]} : vector<16xi32> to vector<1xi32>
      %squeeze3A_348 = vector.extract %slice3A_347[0] : i32 from vector<1xi32>
      %jit3A_349 = arith.constant 128 : i32
      %eq3A_350 = arith.constant 0 : i32
      %eq3A_351 = arith.cmpi eq, %jit3A_349, %eq3A_350 : i32
      %jit3A_352 = arith.constant 1 : i32
      %select_n3A_353 = arith.select %eq3A_351, %jit3A_352, %jit3A_349 : i32
      %rem3A_354 = arith.remsi %squeeze3A_348, %select_n3A_353 : i32
      %ne3A_355 = arith.constant 0 : i32
      %ne3A_356 = arith.cmpi ne, %rem3A_354, %ne3A_355 : i32
      %lt3A_357 = arith.constant 0 : i32
      %lt3A_358 = arith.cmpi slt, %rem3A_354, %lt3A_357 : i32
      %lt3A_359 = arith.constant 0 : i32
      %lt3A_360 = arith.cmpi slt, %select_n3A_353, %lt3A_359 : i32
      %ne3A_361 = arith.xori %lt3A_358, %lt3A_360 : i1
      %and3A_362 = arith.andi %ne3A_361, %ne3A_356 : i1
      %add3A_363 = arith.addi %rem3A_354, %select_n3A_353 : i32
      %select_n3A_364 = arith.select %and3A_362, %add3A_363, %rem3A_354 : i32
      %broadcast_in_dim3A_365 = vector.broadcast %select_n3A_364 : i32 to vector<16xi32>
      %broadcast_in_dim3A_366 = vector.broadcast %add3A_307 : i32 to vector<16xi32>
      %add3A_367 = arith.constant 0 : i32
      %add3A_368 = vector.broadcast %add3A_367 : i32 to vector<16xi32>
      %add3A_369 = arith.addi %iota3A, %add3A_368 : vector<16xi32>
      %gather3A_370 = tpu.vector_load_idx %arg7[%add3A_369, %broadcast_in_dim3A_365] : memref<64x128xf32, #tpu.memory_space<vmem>>[vector<16xi32>, vector<16xi32>], vector<16xf32>,
      tpu.vector_store_idx %arg8[%add3A_369, %broadcast_in_dim3A_366], %gather3A_370 : memref<64x256xf32, #tpu.memory_space<vmem>>[vector<16xi32>, vector<16xi32>], vector<16xf32>,
      %add3A_371 = arith.constant 16 : i32
      %add3A_372 = vector.broadcast %add3A_371 : i32 to vector<16xi32>
      %add3A_373 = arith.addi %iota3A, %add3A_372 : vector<16xi32>
      %gather3A_374 = tpu.vector_load_idx %arg7[%add3A_373, %broadcast_in_dim3A_365] : memref<64x128xf32, #tpu.memory_space<vmem>>[vector<16xi32>, vector<16xi32>], vector<16xf32>,
      tpu.vector_store_idx %arg8[%add3A_373, %broadcast_in_dim3A_366], %gather3A_374 : memref<64x256xf32, #tpu.memory_space<vmem>>[vector<16xi32>, vector<16xi32>], vector<16xf32>,
      %add3A_375 = arith.constant 32 : i32
      %add3A_376 = vector.broadcast %add3A_375 : i32 to vector<16xi32>
      %add3A_377 = arith.addi %iota3A, %add3A_376 : vector<16xi32>
      %gather3A_378 = tpu.vector_load_idx %arg7[%add3A_377, %broadcast_in_dim3A_365] : memref<64x128xf32, #tpu.memory_space<vmem>>[vector<16xi32>, vector<16xi32>], vector<16xf32>,
      tpu.vector_store_idx %arg8[%add3A_377, %broadcast_in_dim3A_366], %gather3A_378 : memref<64x256xf32, #tpu.memory_space<vmem>>[vector<16xi32>, vector<16xi32>], vector<16xf32>,
      %add3A_379 = arith.constant 48 : i32
      %add3A_380 = vector.broadcast %add3A_379 : i32 to vector<16xi32>
      %add3A_381 = arith.addi %iota3A, %add3A_380 : vector<16xi32>
      %gather3A_382 = tpu.vector_load_idx %arg7[%add3A_381, %broadcast_in_dim3A_365] : memref<64x128xf32, #tpu.memory_space<vmem>>[vector<16xi32>, vector<16xi32>], vector<16xf32>,
      tpu.vector_store_idx %arg8[%add3A_381, %broadcast_in_dim3A_366], %gather3A_382 : memref<64x256xf32, #tpu.memory_space<vmem>>[vector<16xi32>, vector<16xi32>], vector<16xf32>,
      %mul3A_383 = arith.constant 16 : i32
      %mul3A_384 = arith.muli %scan3A_37, %mul3A_383 : i32
      %add3A_385 = arith.constant 4 : i32
      %add3A_386 = arith.addi %mul3A_384, %add3A_385 : i32
      %dma_wait3A_387 = arith.constant 0 : i32
      %dma_wait3A_388 = arith.constant 0 : i32
      %dma_wait3A_389 = tpu.memref_slice %arg3[%dma_wait3A_387, %dma_wait3A_388] : memref<64x1000000xf32, #tpu.memory_space<hbm>> -> memref<64x128xf32, #tpu.memory_space<hbm>>
      %dma_wait3A_390 = arith.constant 0 : i32
      %dma_wait3A_391 = arith.constant 0 : i32
      %dma_wait3A_392 = tpu.memref_slice %arg3[%dma_wait3A_390, %dma_wait3A_391] : memref<64x1000000xf32, #tpu.memory_space<hbm>> -> memref<64x128xf32, #tpu.memory_space<hbm>>
      tpu.wait_dma2 semaphore(%arg9 : memref<!tpu.dma_semaphore, #tpu.memory_space<semaphore_mem>>) src(%dma_wait3A_392 : memref<64x128xf32, #tpu.memory_space<hbm>>) dst(%arg6 : memref<64x128xf32, #tpu.memory_space<vmem>>)
      %slice3A_393 = vector.extract_strided_slice %get3A_40 {offsets = [5], sizes = [1], strides = [1]} : vector<16xi32> to vector<1xi32>
      %squeeze3A_394 = vector.extract %slice3A_393[0] : i32 from vector<1xi32>
      %jit3A_395 = arith.constant 128 : i32
      %div3A_396 = arith.divsi %squeeze3A_394, %jit3A_395 : i32
      %sign3A_397 = arith.constant 0 : i32
      %sign3A_398 = arith.cmpi sgt, %squeeze3A_394, %sign3A_397 : i32
      %sign3A_399 = arith.extui %sign3A_398 : i1 to i32
      %sign3A_400 = arith.constant 0 : i32
      %sign3A_401 = arith.cmpi slt, %squeeze3A_394, %sign3A_400 : i32
      %sign3A_402 = arith.extui %sign3A_401 : i1 to i32
      %sign3A_403 = arith.subi %sign3A_399, %sign3A_402 : i32
      %sign3A_404 = arith.constant 0 : i32
      %sign3A_405 = arith.cmpi sgt, %jit3A_395, %sign3A_404 : i32
      %sign3A_406 = arith.extui %sign3A_405 : i1 to i32
      %sign3A_407 = arith.constant 0 : i32
      %sign3A_408 = arith.cmpi slt, %jit3A_395, %sign3A_407 : i32
      %sign3A_409 = arith.extui %sign3A_408 : i1 to i32
      %sign3A_410 = arith.subi %sign3A_406, %sign3A_409 : i32
      %ne3A_411 = arith.cmpi ne, %sign3A_403, %sign3A_410 : i32
      %rem3A_412 = arith.remsi %squeeze3A_394, %jit3A_395 : i32
      %ne3A_413 = arith.constant 0 : i32
      %ne3A_414 = arith.cmpi ne, %rem3A_412, %ne3A_413 : i32
      %and3A_415 = arith.andi %ne3A_411, %ne3A_414 : i1
      %sub3A_416 = arith.constant 1 : i32
      %sub3A_417 = arith.subi %div3A_396, %sub3A_416 : i32
      %select_n3A_418 = arith.select %and3A_415, %sub3A_417, %div3A_396 : i32
      %mul3A_419 = arith.constant 128 : i32
      %mul3A_420 = arith.muli %select_n3A_418, %mul3A_419 : i32
      %multiple_of3A_421 = tpu.assume_multiple %mul3A_420, 128 : i32
      %dma_start3A_422 = arith.constant 0 : i32
      %dma_start3A_423 = tpu.memref_slice %arg3[%dma_start3A_422, %multiple_of3A_421] : memref<64x1000000xf32, #tpu.memory_space<hbm>> -> memref<64x128xf32, #tpu.memory_space<hbm>>
      %dma_start3A_424 = arith.constant 0 : i32
      %dma_start3A_425 = tpu.memref_slice %arg3[%dma_start3A_424, %multiple_of3A_421] : memref<64x1000000xf32, #tpu.memory_space<hbm>> -> memref<64x128xf32, #tpu.memory_space<hbm>>
      tpu.enqueue_dma source(%dma_start3A_425 : memref<64x128xf32, #tpu.memory_space<hbm>>) target(%arg7 : memref<64x128xf32, #tpu.memory_space<vmem>>) target_semaphore(%arg9 : memref<!tpu.dma_semaphore, #tpu.memory_space<semaphore_mem>>)
      %slice3A_426 = vector.extract_strided_slice %get3A_40 {offsets = [4], sizes = [1], strides = [1]} : vector<16xi32> to vector<1xi32>
      %squeeze3A_427 = vector.extract %slice3A_426[0] : i32 from vector<1xi32>
      %jit3A_428 = arith.constant 128 : i32
      %eq3A_429 = arith.constant 0 : i32
      %eq3A_430 = arith.cmpi eq, %jit3A_428, %eq3A_429 : i32
      %jit3A_431 = arith.constant 1 : i32
      %select_n3A_432 = arith.select %eq3A_430, %jit3A_431, %jit3A_428 : i32
      %rem3A_433 = arith.remsi %squeeze3A_427, %select_n3A_432 : i32
      %ne3A_434 = arith.constant 0 : i32
      %ne3A_435 = arith.cmpi ne, %rem3A_433, %ne3A_434 : i32
      %lt3A_436 = arith.constant 0 : i32
      %lt3A_437 = arith.cmpi slt, %rem3A_433, %lt3A_436 : i32
      %lt3A_438 = arith.constant 0 : i32
      %lt3A_439 = arith.cmpi slt, %select_n3A_432, %lt3A_438 : i32
      %ne3A_440 = arith.xori %lt3A_437, %lt3A_439 : i1
      %and3A_441 = arith.andi %ne3A_440, %ne3A_435 : i1
      %add3A_442 = arith.addi %rem3A_433, %select_n3A_432 : i32
      %select_n3A_443 = arith.select %and3A_441, %add3A_442, %rem3A_433 : i32
      %broadcast_in_dim3A_444 = vector.broadcast %select_n3A_443 : i32 to vector<16xi32>
      %broadcast_in_dim3A_445 = vector.broadcast %add3A_386 : i32 to vector<16xi32>
      %add3A_446 = arith.constant 0 : i32
      %add3A_447 = vector.broadcast %add3A_446 : i32 to vector<16xi32>
      %add3A_448 = arith.addi %iota3A, %add3A_447 : vector<16xi32>
      %gather3A_449 = tpu.vector_load_idx %arg6[%add3A_448, %broadcast_in_dim3A_444] : memref<64x128xf32, #tpu.memory_space<vmem>>[vector<16xi32>, vector<16xi32>], vector<16xf32>,
      tpu.vector_store_idx %arg8[%add3A_448, %broadcast_in_dim3A_445], %gather3A_449 : memref<64x256xf32, #tpu.memory_space<vmem>>[vector<16xi32>, vector<16xi32>], vector<16xf32>,
      %add3A_450 = arith.constant 16 : i32
      %add3A_451 = vector.broadcast %add3A_450 : i32 to vector<16xi32>
      %add3A_452 = arith.addi %iota3A, %add3A_451 : vector<16xi32>
      %gather3A_453 = tpu.vector_load_idx %arg6[%add3A_452, %broadcast_in_dim3A_444] : memref<64x128xf32, #tpu.memory_space<vmem>>[vector<16xi32>, vector<16xi32>], vector<16xf32>,
      tpu.vector_store_idx %arg8[%add3A_452, %broadcast_in_dim3A_445], %gather3A_453 : memref<64x256xf32, #tpu.memory_space<vmem>>[vector<16xi32>, vector<16xi32>], vector<16xf32>,
      %add3A_454 = arith.constant 32 : i32
      %add3A_455 = vector.broadcast %add3A_454 : i32 to vector<16xi32>
      %add3A_456 = arith.addi %iota3A, %add3A_455 : vector<16xi32>
      %gather3A_457 = tpu.vector_load_idx %arg6[%add3A_456, %broadcast_in_dim3A_444] : memref<64x128xf32, #tpu.memory_space<vmem>>[vector<16xi32>, vector<16xi32>], vector<16xf32>,
      tpu.vector_store_idx %arg8[%add3A_456, %broadcast_in_dim3A_445], %gather3A_457 : memref<64x256xf32, #tpu.memory_space<vmem>>[vector<16xi32>, vector<16xi32>], vector<16xf32>,
      %add3A_458 = arith.constant 48 : i32
      %add3A_459 = vector.broadcast %add3A_458 : i32 to vector<16xi32>
      %add3A_460 = arith.addi %iota3A, %add3A_459 : vector<16xi32>
      %gather3A_461 = tpu.vector_load_idx %arg6[%add3A_460, %broadcast_in_dim3A_444] : memref<64x128xf32, #tpu.memory_space<vmem>>[vector<16xi32>, vector<16xi32>], vector<16xf32>,
      tpu.vector_store_idx %arg8[%add3A_460, %broadcast_in_dim3A_445], %gather3A_461 : memref<64x256xf32, #tpu.memory_space<vmem>>[vector<16xi32>, vector<16xi32>], vector<16xf32>,
      %mul3A_462 = arith.constant 16 : i32
      %mul3A_463 = arith.muli %scan3A_37, %mul3A_462 : i32
      %add3A_464 = arith.constant 5 : i32
      %add3A_465 = arith.addi %mul3A_463, %add3A_464 : i32
      %dma_wait3A_466 = arith.constant 0 : i32
      %dma_wait3A_467 = arith.constant 0 : i32
      %dma_wait3A_468 = tpu.memref_slice %arg3[%dma_wait3A_466, %dma_wait3A_467] : memref<64x1000000xf32, #tpu.memory_space<hbm>> -> memref<64x128xf32, #tpu.memory_space<hbm>>
      %dma_wait3A_469 = arith.constant 0 : i32
      %dma_wait3A_470 = arith.constant 0 : i32
      %dma_wait3A_471 = tpu.memref_slice %arg3[%dma_wait3A_469, %dma_wait3A_470] : memref<64x1000000xf32, #tpu.memory_space<hbm>> -> memref<64x128xf32, #tpu.memory_space<hbm>>
      tpu.wait_dma2 semaphore(%arg9 : memref<!tpu.dma_semaphore, #tpu.memory_space<semaphore_mem>>) src(%dma_wait3A_471 : memref<64x128xf32, #tpu.memory_space<hbm>>) dst(%arg7 : memref<64x128xf32, #tpu.memory_space<vmem>>)
      %slice3A_472 = vector.extract_strided_slice %get3A_40 {offsets = [6], sizes = [1], strides = [1]} : vector<16xi32> to vector<1xi32>
      %squeeze3A_473 = vector.extract %slice3A_472[0] : i32 from vector<1xi32>
      %jit3A_474 = arith.constant 128 : i32
      %div3A_475 = arith.divsi %squeeze3A_473, %jit3A_474 : i32
      %sign3A_476 = arith.constant 0 : i32
      %sign3A_477 = arith.cmpi sgt, %squeeze3A_473, %sign3A_476 : i32
      %sign3A_478 = arith.extui %sign3A_477 : i1 to i32
      %sign3A_479 = arith.constant 0 : i32
      %sign3A_480 = arith.cmpi slt, %squeeze3A_473, %sign3A_479 : i32
      %sign3A_481 = arith.extui %sign3A_480 : i1 to i32
      %sign3A_482 = arith.subi %sign3A_478, %sign3A_481 : i32
      %sign3A_483 = arith.constant 0 : i32
      %sign3A_484 = arith.cmpi sgt, %jit3A_474, %sign3A_483 : i32
      %sign3A_485 = arith.extui %sign3A_484 : i1 to i32
      %sign3A_486 = arith.constant 0 : i32
      %sign3A_487 = arith.cmpi slt, %jit3A_474, %sign3A_486 : i32
      %sign3A_488 = arith.extui %sign3A_487 : i1 to i32
      %sign3A_489 = arith.subi %sign3A_485, %sign3A_488 : i32
      %ne3A_490 = arith.cmpi ne, %sign3A_482, %sign3A_489 : i32
      %rem3A_491 = arith.remsi %squeeze3A_473, %jit3A_474 : i32
      %ne3A_492 = arith.constant 0 : i32
      %ne3A_493 = arith.cmpi ne, %rem3A_491, %ne3A_492 : i32
      %and3A_494 = arith.andi %ne3A_490, %ne3A_493 : i1
      %sub3A_495 = arith.constant 1 : i32
      %sub3A_496 = arith.subi %div3A_475, %sub3A_495 : i32
      %select_n3A_497 = arith.select %and3A_494, %sub3A_496, %div3A_475 : i32
      %mul3A_498 = arith.constant 128 : i32
      %mul3A_499 = arith.muli %select_n3A_497, %mul3A_498 : i32
      %multiple_of3A_500 = tpu.assume_multiple %mul3A_499, 128 : i32
      %dma_start3A_501 = arith.constant 0 : i32
      %dma_start3A_502 = tpu.memref_slice %arg3[%dma_start3A_501, %multiple_of3A_500] : memref<64x1000000xf32, #tpu.memory_space<hbm>> -> memref<64x128xf32, #tpu.memory_space<hbm>>
      %dma_start3A_503 = arith.constant 0 : i32
      %dma_start3A_504 = tpu.memref_slice %arg3[%dma_start3A_503, %multiple_of3A_500] : memref<64x1000000xf32, #tpu.memory_space<hbm>> -> memref<64x128xf32, #tpu.memory_space<hbm>>
      tpu.enqueue_dma source(%dma_start3A_504 : memref<64x128xf32, #tpu.memory_space<hbm>>) target(%arg6 : memref<64x128xf32, #tpu.memory_space<vmem>>) target_semaphore(%arg9 : memref<!tpu.dma_semaphore, #tpu.memory_space<semaphore_mem>>)
      %slice3A_505 = vector.extract_strided_slice %get3A_40 {offsets = [5], sizes = [1], strides = [1]} : vector<16xi32> to vector<1xi32>
      %squeeze3A_506 = vector.extract %slice3A_505[0] : i32 from vector<1xi32>
      %jit3A_507 = arith.constant 128 : i32
      %eq3A_508 = arith.constant 0 : i32
      %eq3A_509 = arith.cmpi eq, %jit3A_507, %eq3A_508 : i32
      %jit3A_510 = arith.constant 1 : i32
      %select_n3A_511 = arith.select %eq3A_509, %jit3A_510, %jit3A_507 : i32
      %rem3A_512 = arith.remsi %squeeze3A_506, %select_n3A_511 : i32
      %ne3A_513 = arith.constant 0 : i32
      %ne3A_514 = arith.cmpi ne, %rem3A_512, %ne3A_513 : i32
      %lt3A_515 = arith.constant 0 : i32
      %lt3A_516 = arith.cmpi slt, %rem3A_512, %lt3A_515 : i32
      %lt3A_517 = arith.constant 0 : i32
      %lt3A_518 = arith.cmpi slt, %select_n3A_511, %lt3A_517 : i32
      %ne3A_519 = arith.xori %lt3A_516, %lt3A_518 : i1
      %and3A_520 = arith.andi %ne3A_519, %ne3A_514 : i1
      %add3A_521 = arith.addi %rem3A_512, %select_n3A_511 : i32
      %select_n3A_522 = arith.select %and3A_520, %add3A_521, %rem3A_512 : i32
      %broadcast_in_dim3A_523 = vector.broadcast %select_n3A_522 : i32 to vector<16xi32>
      %broadcast_in_dim3A_524 = vector.broadcast %add3A_465 : i32 to vector<16xi32>
      %add3A_525 = arith.constant 0 : i32
      %add3A_526 = vector.broadcast %add3A_525 : i32 to vector<16xi32>
      %add3A_527 = arith.addi %iota3A, %add3A_526 : vector<16xi32>
      %gather3A_528 = tpu.vector_load_idx %arg7[%add3A_527, %broadcast_in_dim3A_523] : memref<64x128xf32, #tpu.memory_space<vmem>>[vector<16xi32>, vector<16xi32>], vector<16xf32>,
      tpu.vector_store_idx %arg8[%add3A_527, %broadcast_in_dim3A_524], %gather3A_528 : memref<64x256xf32, #tpu.memory_space<vmem>>[vector<16xi32>, vector<16xi32>], vector<16xf32>,
      %add3A_529 = arith.constant 16 : i32
      %add3A_530 = vector.broadcast %add3A_529 : i32 to vector<16xi32>
      %add3A_531 = arith.addi %iota3A, %add3A_530 : vector<16xi32>
      %gather3A_532 = tpu.vector_load_idx %arg7[%add3A_531, %broadcast_in_dim3A_523] : memref<64x128xf32, #tpu.memory_space<vmem>>[vector<16xi32>, vector<16xi32>], vector<16xf32>,
      tpu.vector_store_idx %arg8[%add3A_531, %broadcast_in_dim3A_524], %gather3A_532 : memref<64x256xf32, #tpu.memory_space<vmem>>[vector<16xi32>, vector<16xi32>], vector<16xf32>,
      %add3A_533 = arith.constant 32 : i32
      %add3A_534 = vector.broadcast %add3A_533 : i32 to vector<16xi32>
      %add3A_535 = arith.addi %iota3A, %add3A_534 : vector<16xi32>
      %gather3A_536 = tpu.vector_load_idx %arg7[%add3A_535, %broadcast_in_dim3A_523] : memref<64x128xf32, #tpu.memory_space<vmem>>[vector<16xi32>, vector<16xi32>], vector<16xf32>,
      tpu.vector_store_idx %arg8[%add3A_535, %broadcast_in_dim3A_524], %gather3A_536 : memref<64x256xf32, #tpu.memory_space<vmem>>[vector<16xi32>, vector<16xi32>], vector<16xf32>,
      %add3A_537 = arith.constant 48 : i32
      %add3A_538 = vector.broadcast %add3A_537 : i32 to vector<16xi32>
      %add3A_539 = arith.addi %iota3A, %add3A_538 : vector<16xi32>
      %gather3A_540 = tpu.vector_load_idx %arg7[%add3A_539, %broadcast_in_dim3A_523] : memref<64x128xf32, #tpu.memory_space<vmem>>[vector<16xi32>, vector<16xi32>], vector<16xf32>,
      tpu.vector_store_idx %arg8[%add3A_539, %broadcast_in_dim3A_524], %gather3A_540 : memref<64x256xf32, #tpu.memory_space<vmem>>[vector<16xi32>, vector<16xi32>], vector<16xf32>,
      %mul3A_541 = arith.constant 16 : i32
      %mul3A_542 = arith.muli %scan3A_37, %mul3A_541 : i32
      %add3A_543 = arith.constant 6 : i32
      %add3A_544 = arith.addi %mul3A_542, %add3A_543 : i32
      %dma_wait3A_545 = arith.constant 0 : i32
      %dma_wait3A_546 = arith.constant 0 : i32
      %dma_wait3A_547 = tpu.memref_slice %arg3[%dma_wait3A_545, %dma_wait3A_546] : memref<64x1000000xf32, #tpu.memory_space<hbm>> -> memref<64x128xf32, #tpu.memory_space<hbm>>
      %dma_wait3A_548 = arith.constant 0 : i32
      %dma_wait3A_549 = arith.constant 0 : i32
      %dma_wait3A_550 = tpu.memref_slice %arg3[%dma_wait3A_548, %dma_wait3A_549] : memref<64x1000000xf32, #tpu.memory_space<hbm>> -> memref<64x128xf32, #tpu.memory_space<hbm>>
      tpu.wait_dma2 semaphore(%arg9 : memref<!tpu.dma_semaphore, #tpu.memory_space<semaphore_mem>>) src(%dma_wait3A_550 : memref<64x128xf32, #tpu.memory_space<hbm>>) dst(%arg6 : memref<64x128xf32, #tpu.memory_space<vmem>>)
      %slice3A_551 = vector.extract_strided_slice %get3A_40 {offsets = [7], sizes = [1], strides = [1]} : vector<16xi32> to vector<1xi32>
      %squeeze3A_552 = vector.extract %slice3A_551[0] : i32 from vector<1xi32>
      %jit3A_553 = arith.constant 128 : i32
      %div3A_554 = arith.divsi %squeeze3A_552, %jit3A_553 : i32
      %sign3A_555 = arith.constant 0 : i32
      %sign3A_556 = arith.cmpi sgt, %squeeze3A_552, %sign3A_555 : i32
      %sign3A_557 = arith.extui %sign3A_556 : i1 to i32
      %sign3A_558 = arith.constant 0 : i32
      %sign3A_559 = arith.cmpi slt, %squeeze3A_552, %sign3A_558 : i32
      %sign3A_560 = arith.extui %sign3A_559 : i1 to i32
      %sign3A_561 = arith.subi %sign3A_557, %sign3A_560 : i32
      %sign3A_562 = arith.constant 0 : i32
      %sign3A_563 = arith.cmpi sgt, %jit3A_553, %sign3A_562 : i32
      %sign3A_564 = arith.extui %sign3A_563 : i1 to i32
      %sign3A_565 = arith.constant 0 : i32
      %sign3A_566 = arith.cmpi slt, %jit3A_553, %sign3A_565 : i32
      %sign3A_567 = arith.extui %sign3A_566 : i1 to i32
      %sign3A_568 = arith.subi %sign3A_564, %sign3A_567 : i32
      %ne3A_569 = arith.cmpi ne, %sign3A_561, %sign3A_568 : i32
      %rem3A_570 = arith.remsi %squeeze3A_552, %jit3A_553 : i32
      %ne3A_571 = arith.constant 0 : i32
      %ne3A_572 = arith.cmpi ne, %rem3A_570, %ne3A_571 : i32
      %and3A_573 = arith.andi %ne3A_569, %ne3A_572 : i1
      %sub3A_574 = arith.constant 1 : i32
      %sub3A_575 = arith.subi %div3A_554, %sub3A_574 : i32
      %select_n3A_576 = arith.select %and3A_573, %sub3A_575, %div3A_554 : i32
      %mul3A_577 = arith.constant 128 : i32
      %mul3A_578 = arith.muli %select_n3A_576, %mul3A_577 : i32
      %multiple_of3A_579 = tpu.assume_multiple %mul3A_578, 128 : i32
      %dma_start3A_580 = arith.constant 0 : i32
      %dma_start3A_581 = tpu.memref_slice %arg3[%dma_start3A_580, %multiple_of3A_579] : memref<64x1000000xf32, #tpu.memory_space<hbm>> -> memref<64x128xf32, #tpu.memory_space<hbm>>
      %dma_start3A_582 = arith.constant 0 : i32
      %dma_start3A_583 = tpu.memref_slice %arg3[%dma_start3A_582, %multiple_of3A_579] : memref<64x1000000xf32, #tpu.memory_space<hbm>> -> memref<64x128xf32, #tpu.memory_space<hbm>>
      tpu.enqueue_dma source(%dma_start3A_583 : memref<64x128xf32, #tpu.memory_space<hbm>>) target(%arg7 : memref<64x128xf32, #tpu.memory_space<vmem>>) target_semaphore(%arg9 : memref<!tpu.dma_semaphore, #tpu.memory_space<semaphore_mem>>)
      %slice3A_584 = vector.extract_strided_slice %get3A_40 {offsets = [6], sizes = [1], strides = [1]} : vector<16xi32> to vector<1xi32>
      %squeeze3A_585 = vector.extract %slice3A_584[0] : i32 from vector<1xi32>
      %jit3A_586 = arith.constant 128 : i32
      %eq3A_587 = arith.constant 0 : i32
      %eq3A_588 = arith.cmpi eq, %jit3A_586, %eq3A_587 : i32
      %jit3A_589 = arith.constant 1 : i32
      %select_n3A_590 = arith.select %eq3A_588, %jit3A_589, %jit3A_586 : i32
      %rem3A_591 = arith.remsi %squeeze3A_585, %select_n3A_590 : i32
      %ne3A_592 = arith.constant 0 : i32
      %ne3A_593 = arith.cmpi ne, %rem3A_591, %ne3A_592 : i32
      %lt3A_594 = arith.constant 0 : i32
      %lt3A_595 = arith.cmpi slt, %rem3A_591, %lt3A_594 : i32
      %lt3A_596 = arith.constant 0 : i32
      %lt3A_597 = arith.cmpi slt, %select_n3A_590, %lt3A_596 : i32
      %ne3A_598 = arith.xori %lt3A_595, %lt3A_597 : i1
      %and3A_599 = arith.andi %ne3A_598, %ne3A_593 : i1
      %add3A_600 = arith.addi %rem3A_591, %select_n3A_590 : i32
      %select_n3A_601 = arith.select %and3A_599, %add3A_600, %rem3A_591 : i32
      %broadcast_in_dim3A_602 = vector.broadcast %select_n3A_601 : i32 to vector<16xi32>
      %broadcast_in_dim3A_603 = vector.broadcast %add3A_544 : i32 to vector<16xi32>
      %add3A_604 = arith.constant 0 : i32
      %add3A_605 = vector.broadcast %add3A_604 : i32 to vector<16xi32>
      %add3A_606 = arith.addi %iota3A, %add3A_605 : vector<16xi32>
      %gather3A_607 = tpu.vector_load_idx %arg6[%add3A_606, %broadcast_in_dim3A_602] : memref<64x128xf32, #tpu.memory_space<vmem>>[vector<16xi32>, vector<16xi32>], vector<16xf32>,
      tpu.vector_store_idx %arg8[%add3A_606, %broadcast_in_dim3A_603], %gather3A_607 : memref<64x256xf32, #tpu.memory_space<vmem>>[vector<16xi32>, vector<16xi32>], vector<16xf32>,
      %add3A_608 = arith.constant 16 : i32
      %add3A_609 = vector.broadcast %add3A_608 : i32 to vector<16xi32>
      %add3A_610 = arith.addi %iota3A, %add3A_609 : vector<16xi32>
      %gather3A_611 = tpu.vector_load_idx %arg6[%add3A_610, %broadcast_in_dim3A_602] : memref<64x128xf32, #tpu.memory_space<vmem>>[vector<16xi32>, vector<16xi32>], vector<16xf32>,
      tpu.vector_store_idx %arg8[%add3A_610, %broadcast_in_dim3A_603], %gather3A_611 : memref<64x256xf32, #tpu.memory_space<vmem>>[vector<16xi32>, vector<16xi32>], vector<16xf32>,
      %add3A_612 = arith.constant 32 : i32
      %add3A_613 = vector.broadcast %add3A_612 : i32 to vector<16xi32>
      %add3A_614 = arith.addi %iota3A, %add3A_613 : vector<16xi32>
      %gather3A_615 = tpu.vector_load_idx %arg6[%add3A_614, %broadcast_in_dim3A_602] : memref<64x128xf32, #tpu.memory_space<vmem>>[vector<16xi32>, vector<16xi32>], vector<16xf32>,
      tpu.vector_store_idx %arg8[%add3A_614, %broadcast_in_dim3A_603], %gather3A_615 : memref<64x256xf32, #tpu.memory_space<vmem>>[vector<16xi32>, vector<16xi32>], vector<16xf32>,
      %add3A_616 = arith.constant 48 : i32
      %add3A_617 = vector.broadcast %add3A_616 : i32 to vector<16xi32>
      %add3A_618 = arith.addi %iota3A, %add3A_617 : vector<16xi32>
      %gather3A_619 = tpu.vector_load_idx %arg6[%add3A_618, %broadcast_in_dim3A_602] : memref<64x128xf32, #tpu.memory_space<vmem>>[vector<16xi32>, vector<16xi32>], vector<16xf32>,
      tpu.vector_store_idx %arg8[%add3A_618, %broadcast_in_dim3A_603], %gather3A_619 : memref<64x256xf32, #tpu.memory_space<vmem>>[vector<16xi32>, vector<16xi32>], vector<16xf32>,
      %mul3A_620 = arith.constant 16 : i32
      %mul3A_621 = arith.muli %scan3A_37, %mul3A_620 : i32
      %add3A_622 = arith.constant 7 : i32
      %add3A_623 = arith.addi %mul3A_621, %add3A_622 : i32
      %dma_wait3A_624 = arith.constant 0 : i32
      %dma_wait3A_625 = arith.constant 0 : i32
      %dma_wait3A_626 = tpu.memref_slice %arg3[%dma_wait3A_624, %dma_wait3A_625] : memref<64x1000000xf32, #tpu.memory_space<hbm>> -> memref<64x128xf32, #tpu.memory_space<hbm>>
      %dma_wait3A_627 = arith.constant 0 : i32
      %dma_wait3A_628 = arith.constant 0 : i32
      %dma_wait3A_629 = tpu.memref_slice %arg3[%dma_wait3A_627, %dma_wait3A_628] : memref<64x1000000xf32, #tpu.memory_space<hbm>> -> memref<64x128xf32, #tpu.memory_space<hbm>>
      tpu.wait_dma2 semaphore(%arg9 : memref<!tpu.dma_semaphore, #tpu.memory_space<semaphore_mem>>) src(%dma_wait3A_629 : memref<64x128xf32, #tpu.memory_space<hbm>>) dst(%arg7 : memref<64x128xf32, #tpu.memory_space<vmem>>)
      %slice3A_630 = vector.extract_strided_slice %get3A_40 {offsets = [8], sizes = [1], strides = [1]} : vector<16xi32> to vector<1xi32>
      %squeeze3A_631 = vector.extract %slice3A_630[0] : i32 from vector<1xi32>
      %jit3A_632 = arith.constant 128 : i32
      %div3A_633 = arith.divsi %squeeze3A_631, %jit3A_632 : i32
      %sign3A_634 = arith.constant 0 : i32
      %sign3A_635 = arith.cmpi sgt, %squeeze3A_631, %sign3A_634 : i32
      %sign3A_636 = arith.extui %sign3A_635 : i1 to i32
      %sign3A_637 = arith.constant 0 : i32
      %sign3A_638 = arith.cmpi slt, %squeeze3A_631, %sign3A_637 : i32
      %sign3A_639 = arith.extui %sign3A_638 : i1 to i32
      %sign3A_640 = arith.subi %sign3A_636, %sign3A_639 : i32
      %sign3A_641 = arith.constant 0 : i32
      %sign3A_642 = arith.cmpi sgt, %jit3A_632, %sign3A_641 : i32
      %sign3A_643 = arith.extui %sign3A_642 : i1 to i32
      %sign3A_644 = arith.constant 0 : i32
      %sign3A_645 = arith.cmpi slt, %jit3A_632, %sign3A_644 : i32
      %sign3A_646 = arith.extui %sign3A_645 : i1 to i32
      %sign3A_647 = arith.subi %sign3A_643, %sign3A_646 : i32
      %ne3A_648 = arith.cmpi ne, %sign3A_640, %sign3A_647 : i32
      %rem3A_649 = arith.remsi %squeeze3A_631, %jit3A_632 : i32
      %ne3A_650 = arith.constant 0 : i32
      %ne3A_651 = arith.cmpi ne, %rem3A_649, %ne3A_650 : i32
      %and3A_652 = arith.andi %ne3A_648, %ne3A_651 : i1
      %sub3A_653 = arith.constant 1 : i32
      %sub3A_654 = arith.subi %div3A_633, %sub3A_653 : i32
      %select_n3A_655 = arith.select %and3A_652, %sub3A_654, %div3A_633 : i32
      %mul3A_656 = arith.constant 128 : i32
      %mul3A_657 = arith.muli %select_n3A_655, %mul3A_656 : i32
      %multiple_of3A_658 = tpu.assume_multiple %mul3A_657, 128 : i32
      %dma_start3A_659 = arith.constant 0 : i32
      %dma_start3A_660 = tpu.memref_slice %arg3[%dma_start3A_659, %multiple_of3A_658] : memref<64x1000000xf32, #tpu.memory_space<hbm>> -> memref<64x128xf32, #tpu.memory_space<hbm>>
      %dma_start3A_661 = arith.constant 0 : i32
      %dma_start3A_662 = tpu.memref_slice %arg3[%dma_start3A_661, %multiple_of3A_658] : memref<64x1000000xf32, #tpu.memory_space<hbm>> -> memref<64x128xf32, #tpu.memory_space<hbm>>
      tpu.enqueue_dma source(%dma_start3A_662 : memref<64x128xf32, #tpu.memory_space<hbm>>) target(%arg6 : memref<64x128xf32, #tpu.memory_space<vmem>>) target_semaphore(%arg9 : memref<!tpu.dma_semaphore, #tpu.memory_space<semaphore_mem>>)
      %slice3A_663 = vector.extract_strided_slice %get3A_40 {offsets = [7], sizes = [1], strides = [1]} : vector<16xi32> to vector<1xi32>
      %squeeze3A_664 = vector.extract %slice3A_663[0] : i32 from vector<1xi32>
      %jit3A_665 = arith.constant 128 : i32
      %eq3A_666 = arith.constant 0 : i32
      %eq3A_667 = arith.cmpi eq, %jit3A_665, %eq3A_666 : i32
      %jit3A_668 = arith.constant 1 : i32
      %select_n3A_669 = arith.select %eq3A_667, %jit3A_668, %jit3A_665 : i32
      %rem3A_670 = arith.remsi %squeeze3A_664, %select_n3A_669 : i32
      %ne3A_671 = arith.constant 0 : i32
      %ne3A_672 = arith.cmpi ne, %rem3A_670, %ne3A_671 : i32
      %lt3A_673 = arith.constant 0 : i32
      %lt3A_674 = arith.cmpi slt, %rem3A_670, %lt3A_673 : i32
      %lt3A_675 = arith.constant 0 : i32
      %lt3A_676 = arith.cmpi slt, %select_n3A_669, %lt3A_675 : i32
      %ne3A_677 = arith.xori %lt3A_674, %lt3A_676 : i1
      %and3A_678 = arith.andi %ne3A_677, %ne3A_672 : i1
      %add3A_679 = arith.addi %rem3A_670, %select_n3A_669 : i32
      %select_n3A_680 = arith.select %and3A_678, %add3A_679, %rem3A_670 : i32
      %broadcast_in_dim3A_681 = vector.broadcast %select_n3A_680 : i32 to vector<16xi32>
      %broadcast_in_dim3A_682 = vector.broadcast %add3A_623 : i32 to vector<16xi32>
      %add3A_683 = arith.constant 0 : i32
      %add3A_684 = vector.broadcast %add3A_683 : i32 to vector<16xi32>
      %add3A_685 = arith.addi %iota3A, %add3A_684 : vector<16xi32>
      %gather3A_686 = tpu.vector_load_idx %arg7[%add3A_685, %broadcast_in_dim3A_681] : memref<64x128xf32, #tpu.memory_space<vmem>>[vector<16xi32>, vector<16xi32>], vector<16xf32>,
      tpu.vector_store_idx %arg8[%add3A_685, %broadcast_in_dim3A_682], %gather3A_686 : memref<64x256xf32, #tpu.memory_space<vmem>>[vector<16xi32>, vector<16xi32>], vector<16xf32>,
      %add3A_687 = arith.constant 16 : i32
      %add3A_688 = vector.broadcast %add3A_687 : i32 to vector<16xi32>
      %add3A_689 = arith.addi %iota3A, %add3A_688 : vector<16xi32>
      %gather3A_690 = tpu.vector_load_idx %arg7[%add3A_689, %broadcast_in_dim3A_681] : memref<64x128xf32, #tpu.memory_space<vmem>>[vector<16xi32>, vector<16xi32>], vector<16xf32>,
      tpu.vector_store_idx %arg8[%add3A_689, %broadcast_in_dim3A_682], %gather3A_690 : memref<64x256xf32, #tpu.memory_space<vmem>>[vector<16xi32>, vector<16xi32>], vector<16xf32>,
      %add3A_691 = arith.constant 32 : i32
      %add3A_692 = vector.broadcast %add3A_691 : i32 to vector<16xi32>
      %add3A_693 = arith.addi %iota3A, %add3A_692 : vector<16xi32>
      %gather3A_694 = tpu.vector_load_idx %arg7[%add3A_693, %broadcast_in_dim3A_681] : memref<64x128xf32, #tpu.memory_space<vmem>>[vector<16xi32>, vector<16xi32>], vector<16xf32>,
      tpu.vector_store_idx %arg8[%add3A_693, %broadcast_in_dim3A_682], %gather3A_694 : memref<64x256xf32, #tpu.memory_space<vmem>>[vector<16xi32>, vector<16xi32>], vector<16xf32>,
      %add3A_695 = arith.constant 48 : i32
      %add3A_696 = vector.broadcast %add3A_695 : i32 to vector<16xi32>
      %add3A_697 = arith.addi %iota3A, %add3A_696 : vector<16xi32>
      %gather3A_698 = tpu.vector_load_idx %arg7[%add3A_697, %broadcast_in_dim3A_681] : memref<64x128xf32, #tpu.memory_space<vmem>>[vector<16xi32>, vector<16xi32>], vector<16xf32>,
      tpu.vector_store_idx %arg8[%add3A_697, %broadcast_in_dim3A_682], %gather3A_698 : memref<64x256xf32, #tpu.memory_space<vmem>>[vector<16xi32>, vector<16xi32>], vector<16xf32>,
      %mul3A_699 = arith.constant 16 : i32
      %mul3A_700 = arith.muli %scan3A_37, %mul3A_699 : i32
      %add3A_701 = arith.constant 8 : i32
      %add3A_702 = arith.addi %mul3A_700, %add3A_701 : i32
      %dma_wait3A_703 = arith.constant 0 : i32
      %dma_wait3A_704 = arith.constant 0 : i32
      %dma_wait3A_705 = tpu.memref_slice %arg3[%dma_wait3A_703, %dma_wait3A_704] : memref<64x1000000xf32, #tpu.memory_space<hbm>> -> memref<64x128xf32, #tpu.memory_space<hbm>>
      %dma_wait3A_706 = arith.constant 0 : i32
      %dma_wait3A_707 = arith.constant 0 : i32
      %dma_wait3A_708 = tpu.memref_slice %arg3[%dma_wait3A_706, %dma_wait3A_707] : memref<64x1000000xf32, #tpu.memory_space<hbm>> -> memref<64x128xf32, #tpu.memory_space<hbm>>
      tpu.wait_dma2 semaphore(%arg9 : memref<!tpu.dma_semaphore, #tpu.memory_space<semaphore_mem>>) src(%dma_wait3A_708 : memref<64x128xf32, #tpu.memory_space<hbm>>) dst(%arg6 : memref<64x128xf32, #tpu.memory_space<vmem>>)
      %slice3A_709 = vector.extract_strided_slice %get3A_40 {offsets = [9], sizes = [1], strides = [1]} : vector<16xi32> to vector<1xi32>
      %squeeze3A_710 = vector.extract %slice3A_709[0] : i32 from vector<1xi32>
      %jit3A_711 = arith.constant 128 : i32
      %div3A_712 = arith.divsi %squeeze3A_710, %jit3A_711 : i32
      %sign3A_713 = arith.constant 0 : i32
      %sign3A_714 = arith.cmpi sgt, %squeeze3A_710, %sign3A_713 : i32
      %sign3A_715 = arith.extui %sign3A_714 : i1 to i32
      %sign3A_716 = arith.constant 0 : i32
      %sign3A_717 = arith.cmpi slt, %squeeze3A_710, %sign3A_716 : i32
      %sign3A_718 = arith.extui %sign3A_717 : i1 to i32
      %sign3A_719 = arith.subi %sign3A_715, %sign3A_718 : i32
      %sign3A_720 = arith.constant 0 : i32
      %sign3A_721 = arith.cmpi sgt, %jit3A_711, %sign3A_720 : i32
      %sign3A_722 = arith.extui %sign3A_721 : i1 to i32
      %sign3A_723 = arith.constant 0 : i32
      %sign3A_724 = arith.cmpi slt, %jit3A_711, %sign3A_723 : i32
      %sign3A_725 = arith.extui %sign3A_724 : i1 to i32
      %sign3A_726 = arith.subi %sign3A_722, %sign3A_725 : i32
      %ne3A_727 = arith.cmpi ne, %sign3A_719, %sign3A_726 : i32
      %rem3A_728 = arith.remsi %squeeze3A_710, %jit3A_711 : i32
      %ne3A_729 = arith.constant 0 : i32
      %ne3A_730 = arith.cmpi ne, %rem3A_728, %ne3A_729 : i32
      %and3A_731 = arith.andi %ne3A_727, %ne3A_730 : i1
      %sub3A_732 = arith.constant 1 : i32
      %sub3A_733 = arith.subi %div3A_712, %sub3A_732 : i32
      %select_n3A_734 = arith.select %and3A_731, %sub3A_733, %div3A_712 : i32
      %mul3A_735 = arith.constant 128 : i32
      %mul3A_736 = arith.muli %select_n3A_734, %mul3A_735 : i32
      %multiple_of3A_737 = tpu.assume_multiple %mul3A_736, 128 : i32
      %dma_start3A_738 = arith.constant 0 : i32
      %dma_start3A_739 = tpu.memref_slice %arg3[%dma_start3A_738, %multiple_of3A_737] : memref<64x1000000xf32, #tpu.memory_space<hbm>> -> memref<64x128xf32, #tpu.memory_space<hbm>>
      %dma_start3A_740 = arith.constant 0 : i32
      %dma_start3A_741 = tpu.memref_slice %arg3[%dma_start3A_740, %multiple_of3A_737] : memref<64x1000000xf32, #tpu.memory_space<hbm>> -> memref<64x128xf32, #tpu.memory_space<hbm>>
      tpu.enqueue_dma source(%dma_start3A_741 : memref<64x128xf32, #tpu.memory_space<hbm>>) target(%arg7 : memref<64x128xf32, #tpu.memory_space<vmem>>) target_semaphore(%arg9 : memref<!tpu.dma_semaphore, #tpu.memory_space<semaphore_mem>>)
      %slice3A_742 = vector.extract_strided_slice %get3A_40 {offsets = [8], sizes = [1], strides = [1]} : vector<16xi32> to vector<1xi32>
      %squeeze3A_743 = vector.extract %slice3A_742[0] : i32 from vector<1xi32>
      %jit3A_744 = arith.constant 128 : i32
      %eq3A_745 = arith.constant 0 : i32
      %eq3A_746 = arith.cmpi eq, %jit3A_744, %eq3A_745 : i32
      %jit3A_747 = arith.constant 1 : i32
      %select_n3A_748 = arith.select %eq3A_746, %jit3A_747, %jit3A_744 : i32
      %rem3A_749 = arith.remsi %squeeze3A_743, %select_n3A_748 : i32
      %ne3A_750 = arith.constant 0 : i32
      %ne3A_751 = arith.cmpi ne, %rem3A_749, %ne3A_750 : i32
      %lt3A_752 = arith.constant 0 : i32
      %lt3A_753 = arith.cmpi slt, %rem3A_749, %lt3A_752 : i32
      %lt3A_754 = arith.constant 0 : i32
      %lt3A_755 = arith.cmpi slt, %select_n3A_748, %lt3A_754 : i32
      %ne3A_756 = arith.xori %lt3A_753, %lt3A_755 : i1
      %and3A_757 = arith.andi %ne3A_756, %ne3A_751 : i1
      %add3A_758 = arith.addi %rem3A_749, %select_n3A_748 : i32
      %select_n3A_759 = arith.select %and3A_757, %add3A_758, %rem3A_749 : i32
      %broadcast_in_dim3A_760 = vector.broadcast %select_n3A_759 : i32 to vector<16xi32>
      %broadcast_in_dim3A_761 = vector.broadcast %add3A_702 : i32 to vector<16xi32>
      %add3A_762 = arith.constant 0 : i32
      %add3A_763 = vector.broadcast %add3A_762 : i32 to vector<16xi32>
      %add3A_764 = arith.addi %iota3A, %add3A_763 : vector<16xi32>
      %gather3A_765 = tpu.vector_load_idx %arg6[%add3A_764, %broadcast_in_dim3A_760] : memref<64x128xf32, #tpu.memory_space<vmem>>[vector<16xi32>, vector<16xi32>], vector<16xf32>,
      tpu.vector_store_idx %arg8[%add3A_764, %broadcast_in_dim3A_761], %gather3A_765 : memref<64x256xf32, #tpu.memory_space<vmem>>[vector<16xi32>, vector<16xi32>], vector<16xf32>,
      %add3A_766 = arith.constant 16 : i32
      %add3A_767 = vector.broadcast %add3A_766 : i32 to vector<16xi32>
      %add3A_768 = arith.addi %iota3A, %add3A_767 : vector<16xi32>
      %gather3A_769 = tpu.vector_load_idx %arg6[%add3A_768, %broadcast_in_dim3A_760] : memref<64x128xf32, #tpu.memory_space<vmem>>[vector<16xi32>, vector<16xi32>], vector<16xf32>,
      tpu.vector_store_idx %arg8[%add3A_768, %broadcast_in_dim3A_761], %gather3A_769 : memref<64x256xf32, #tpu.memory_space<vmem>>[vector<16xi32>, vector<16xi32>], vector<16xf32>,
      %add3A_770 = arith.constant 32 : i32
      %add3A_771 = vector.broadcast %add3A_770 : i32 to vector<16xi32>
      %add3A_772 = arith.addi %iota3A, %add3A_771 : vector<16xi32>
      %gather3A_773 = tpu.vector_load_idx %arg6[%add3A_772, %broadcast_in_dim3A_760] : memref<64x128xf32, #tpu.memory_space<vmem>>[vector<16xi32>, vector<16xi32>], vector<16xf32>,
      tpu.vector_store_idx %arg8[%add3A_772, %broadcast_in_dim3A_761], %gather3A_773 : memref<64x256xf32, #tpu.memory_space<vmem>>[vector<16xi32>, vector<16xi32>], vector<16xf32>,
      %add3A_774 = arith.constant 48 : i32
      %add3A_775 = vector.broadcast %add3A_774 : i32 to vector<16xi32>
      %add3A_776 = arith.addi %iota3A, %add3A_775 : vector<16xi32>
      %gather3A_777 = tpu.vector_load_idx %arg6[%add3A_776, %broadcast_in_dim3A_760] : memref<64x128xf32, #tpu.memory_space<vmem>>[vector<16xi32>, vector<16xi32>], vector<16xf32>,
      tpu.vector_store_idx %arg8[%add3A_776, %broadcast_in_dim3A_761], %gather3A_777 : memref<64x256xf32, #tpu.memory_space<vmem>>[vector<16xi32>, vector<16xi32>], vector<16xf32>,
      %mul3A_778 = arith.constant 16 : i32
      %mul3A_779 = arith.muli %scan3A_37, %mul3A_778 : i32
      %add3A_780 = arith.constant 9 : i32
      %add3A_781 = arith.addi %mul3A_779, %add3A_780 : i32
      %dma_wait3A_782 = arith.constant 0 : i32
      %dma_wait3A_783 = arith.constant 0 : i32
      %dma_wait3A_784 = tpu.memref_slice %arg3[%dma_wait3A_782, %dma_wait3A_783] : memref<64x1000000xf32, #tpu.memory_space<hbm>> -> memref<64x128xf32, #tpu.memory_space<hbm>>
      %dma_wait3A_785 = arith.constant 0 : i32
      %dma_wait3A_786 = arith.constant 0 : i32
      %dma_wait3A_787 = tpu.memref_slice %arg3[%dma_wait3A_785, %dma_wait3A_786] : memref<64x1000000xf32, #tpu.memory_space<hbm>> -> memref<64x128xf32, #tpu.memory_space<hbm>>
      tpu.wait_dma2 semaphore(%arg9 : memref<!tpu.dma_semaphore, #tpu.memory_space<semaphore_mem>>) src(%dma_wait3A_787 : memref<64x128xf32, #tpu.memory_space<hbm>>) dst(%arg7 : memref<64x128xf32, #tpu.memory_space<vmem>>)
      %slice3A_788 = vector.extract_strided_slice %get3A_40 {offsets = [10], sizes = [1], strides = [1]} : vector<16xi32> to vector<1xi32>
      %squeeze3A_789 = vector.extract %slice3A_788[0] : i32 from vector<1xi32>
      %jit3A_790 = arith.constant 128 : i32
      %div3A_791 = arith.divsi %squeeze3A_789, %jit3A_790 : i32
      %sign3A_792 = arith.constant 0 : i32
      %sign3A_793 = arith.cmpi sgt, %squeeze3A_789, %sign3A_792 : i32
      %sign3A_794 = arith.extui %sign3A_793 : i1 to i32
      %sign3A_795 = arith.constant 0 : i32
      %sign3A_796 = arith.cmpi slt, %squeeze3A_789, %sign3A_795 : i32
      %sign3A_797 = arith.extui %sign3A_796 : i1 to i32
      %sign3A_798 = arith.subi %sign3A_794, %sign3A_797 : i32
      %sign3A_799 = arith.constant 0 : i32
      %sign3A_800 = arith.cmpi sgt, %jit3A_790, %sign3A_799 : i32
      %sign3A_801 = arith.extui %sign3A_800 : i1 to i32
      %sign3A_802 = arith.constant 0 : i32
      %sign3A_803 = arith.cmpi slt, %jit3A_790, %sign3A_802 : i32
      %sign3A_804 = arith.extui %sign3A_803 : i1 to i32
      %sign3A_805 = arith.subi %sign3A_801, %sign3A_804 : i32
      %ne3A_806 = arith.cmpi ne, %sign3A_798, %sign3A_805 : i32
      %rem3A_807 = arith.remsi %squeeze3A_789, %jit3A_790 : i32
      %ne3A_808 = arith.constant 0 : i32
      %ne3A_809 = arith.cmpi ne, %rem3A_807, %ne3A_808 : i32
      %and3A_810 = arith.andi %ne3A_806, %ne3A_809 : i1
      %sub3A_811 = arith.constant 1 : i32
      %sub3A_812 = arith.subi %div3A_791, %sub3A_811 : i32
      %select_n3A_813 = arith.select %and3A_810, %sub3A_812, %div3A_791 : i32
      %mul3A_814 = arith.constant 128 : i32
      %mul3A_815 = arith.muli %select_n3A_813, %mul3A_814 : i32
      %multiple_of3A_816 = tpu.assume_multiple %mul3A_815, 128 : i32
      %dma_start3A_817 = arith.constant 0 : i32
      %dma_start3A_818 = tpu.memref_slice %arg3[%dma_start3A_817, %multiple_of3A_816] : memref<64x1000000xf32, #tpu.memory_space<hbm>> -> memref<64x128xf32, #tpu.memory_space<hbm>>
      %dma_start3A_819 = arith.constant 0 : i32
      %dma_start3A_820 = tpu.memref_slice %arg3[%dma_start3A_819, %multiple_of3A_816] : memref<64x1000000xf32, #tpu.memory_space<hbm>> -> memref<64x128xf32, #tpu.memory_space<hbm>>
      tpu.enqueue_dma source(%dma_start3A_820 : memref<64x128xf32, #tpu.memory_space<hbm>>) target(%arg6 : memref<64x128xf32, #tpu.memory_space<vmem>>) target_semaphore(%arg9 : memref<!tpu.dma_semaphore, #tpu.memory_space<semaphore_mem>>)
      %slice3A_821 = vector.extract_strided_slice %get3A_40 {offsets = [9], sizes = [1], strides = [1]} : vector<16xi32> to vector<1xi32>
      %squeeze3A_822 = vector.extract %slice3A_821[0] : i32 from vector<1xi32>
      %jit3A_823 = arith.constant 128 : i32
      %eq3A_824 = arith.constant 0 : i32
      %eq3A_825 = arith.cmpi eq, %jit3A_823, %eq3A_824 : i32
      %jit3A_826 = arith.constant 1 : i32
      %select_n3A_827 = arith.select %eq3A_825, %jit3A_826, %jit3A_823 : i32
      %rem3A_828 = arith.remsi %squeeze3A_822, %select_n3A_827 : i32
      %ne3A_829 = arith.constant 0 : i32
      %ne3A_830 = arith.cmpi ne, %rem3A_828, %ne3A_829 : i32
      %lt3A_831 = arith.constant 0 : i32
      %lt3A_832 = arith.cmpi slt, %rem3A_828, %lt3A_831 : i32
      %lt3A_833 = arith.constant 0 : i32
      %lt3A_834 = arith.cmpi slt, %select_n3A_827, %lt3A_833 : i32
      %ne3A_835 = arith.xori %lt3A_832, %lt3A_834 : i1
      %and3A_836 = arith.andi %ne3A_835, %ne3A_830 : i1
      %add3A_837 = arith.addi %rem3A_828, %select_n3A_827 : i32
      %select_n3A_838 = arith.select %and3A_836, %add3A_837, %rem3A_828 : i32
      %broadcast_in_dim3A_839 = vector.broadcast %select_n3A_838 : i32 to vector<16xi32>
      %broadcast_in_dim3A_840 = vector.broadcast %add3A_781 : i32 to vector<16xi32>
      %add3A_841 = arith.constant 0 : i32
      %add3A_842 = vector.broadcast %add3A_841 : i32 to vector<16xi32>
      %add3A_843 = arith.addi %iota3A, %add3A_842 : vector<16xi32>
      %gather3A_844 = tpu.vector_load_idx %arg7[%add3A_843, %broadcast_in_dim3A_839] : memref<64x128xf32, #tpu.memory_space<vmem>>[vector<16xi32>, vector<16xi32>], vector<16xf32>,
      tpu.vector_store_idx %arg8[%add3A_843, %broadcast_in_dim3A_840], %gather3A_844 : memref<64x256xf32, #tpu.memory_space<vmem>>[vector<16xi32>, vector<16xi32>], vector<16xf32>,
      %add3A_845 = arith.constant 16 : i32
      %add3A_846 = vector.broadcast %add3A_845 : i32 to vector<16xi32>
      %add3A_847 = arith.addi %iota3A, %add3A_846 : vector<16xi32>
      %gather3A_848 = tpu.vector_load_idx %arg7[%add3A_847, %broadcast_in_dim3A_839] : memref<64x128xf32, #tpu.memory_space<vmem>>[vector<16xi32>, vector<16xi32>], vector<16xf32>,
      tpu.vector_store_idx %arg8[%add3A_847, %broadcast_in_dim3A_840], %gather3A_848 : memref<64x256xf32, #tpu.memory_space<vmem>>[vector<16xi32>, vector<16xi32>], vector<16xf32>,
      %add3A_849 = arith.constant 32 : i32
      %add3A_850 = vector.broadcast %add3A_849 : i32 to vector<16xi32>
      %add3A_851 = arith.addi %iota3A, %add3A_850 : vector<16xi32>
      %gather3A_852 = tpu.vector_load_idx %arg7[%add3A_851, %broadcast_in_dim3A_839] : memref<64x128xf32, #tpu.memory_space<vmem>>[vector<16xi32>, vector<16xi32>], vector<16xf32>,
      tpu.vector_store_idx %arg8[%add3A_851, %broadcast_in_dim3A_840], %gather3A_852 : memref<64x256xf32, #tpu.memory_space<vmem>>[vector<16xi32>, vector<16xi32>], vector<16xf32>,
      %add3A_853 = arith.constant 48 : i32
      %add3A_854 = vector.broadcast %add3A_853 : i32 to vector<16xi32>
      %add3A_855 = arith.addi %iota3A, %add3A_854 : vector<16xi32>
      %gather3A_856 = tpu.vector_load_idx %arg7[%add3A_855, %broadcast_in_dim3A_839] : memref<64x128xf32, #tpu.memory_space<vmem>>[vector<16xi32>, vector<16xi32>], vector<16xf32>,
      tpu.vector_store_idx %arg8[%add3A_855, %broadcast_in_dim3A_840], %gather3A_856 : memref<64x256xf32, #tpu.memory_space<vmem>>[vector<16xi32>, vector<16xi32>], vector<16xf32>,
      %mul3A_857 = arith.constant 16 : i32
      %mul3A_858 = arith.muli %scan3A_37, %mul3A_857 : i32
      %add3A_859 = arith.constant 10 : i32
      %add3A_860 = arith.addi %mul3A_858, %add3A_859 : i32
      %dma_wait3A_861 = arith.constant 0 : i32
      %dma_wait3A_862 = arith.constant 0 : i32
      %dma_wait3A_863 = tpu.memref_slice %arg3[%dma_wait3A_861, %dma_wait3A_862] : memref<64x1000000xf32, #tpu.memory_space<hbm>> -> memref<64x128xf32, #tpu.memory_space<hbm>>
      %dma_wait3A_864 = arith.constant 0 : i32
      %dma_wait3A_865 = arith.constant 0 : i32
      %dma_wait3A_866 = tpu.memref_slice %arg3[%dma_wait3A_864, %dma_wait3A_865] : memref<64x1000000xf32, #tpu.memory_space<hbm>> -> memref<64x128xf32, #tpu.memory_space<hbm>>
      tpu.wait_dma2 semaphore(%arg9 : memref<!tpu.dma_semaphore, #tpu.memory_space<semaphore_mem>>) src(%dma_wait3A_866 : memref<64x128xf32, #tpu.memory_space<hbm>>) dst(%arg6 : memref<64x128xf32, #tpu.memory_space<vmem>>)
      %slice3A_867 = vector.extract_strided_slice %get3A_40 {offsets = [11], sizes = [1], strides = [1]} : vector<16xi32> to vector<1xi32>
      %squeeze3A_868 = vector.extract %slice3A_867[0] : i32 from vector<1xi32>
      %jit3A_869 = arith.constant 128 : i32
      %div3A_870 = arith.divsi %squeeze3A_868, %jit3A_869 : i32
      %sign3A_871 = arith.constant 0 : i32
      %sign3A_872 = arith.cmpi sgt, %squeeze3A_868, %sign3A_871 : i32
      %sign3A_873 = arith.extui %sign3A_872 : i1 to i32
      %sign3A_874 = arith.constant 0 : i32
      %sign3A_875 = arith.cmpi slt, %squeeze3A_868, %sign3A_874 : i32
      %sign3A_876 = arith.extui %sign3A_875 : i1 to i32
      %sign3A_877 = arith.subi %sign3A_873, %sign3A_876 : i32
      %sign3A_878 = arith.constant 0 : i32
      %sign3A_879 = arith.cmpi sgt, %jit3A_869, %sign3A_878 : i32
      %sign3A_880 = arith.extui %sign3A_879 : i1 to i32
      %sign3A_881 = arith.constant 0 : i32
      %sign3A_882 = arith.cmpi slt, %jit3A_869, %sign3A_881 : i32
      %sign3A_883 = arith.extui %sign3A_882 : i1 to i32
      %sign3A_884 = arith.subi %sign3A_880, %sign3A_883 : i32
      %ne3A_885 = arith.cmpi ne, %sign3A_877, %sign3A_884 : i32
      %rem3A_886 = arith.remsi %squeeze3A_868, %jit3A_869 : i32
      %ne3A_887 = arith.constant 0 : i32
      %ne3A_888 = arith.cmpi ne, %rem3A_886, %ne3A_887 : i32
      %and3A_889 = arith.andi %ne3A_885, %ne3A_888 : i1
      %sub3A_890 = arith.constant 1 : i32
      %sub3A_891 = arith.subi %div3A_870, %sub3A_890 : i32
      %select_n3A_892 = arith.select %and3A_889, %sub3A_891, %div3A_870 : i32
      %mul3A_893 = arith.constant 128 : i32
      %mul3A_894 = arith.muli %select_n3A_892, %mul3A_893 : i32
      %multiple_of3A_895 = tpu.assume_multiple %mul3A_894, 128 : i32
      %dma_start3A_896 = arith.constant 0 : i32
      %dma_start3A_897 = tpu.memref_slice %arg3[%dma_start3A_896, %multiple_of3A_895] : memref<64x1000000xf32, #tpu.memory_space<hbm>> -> memref<64x128xf32, #tpu.memory_space<hbm>>
      %dma_start3A_898 = arith.constant 0 : i32
      %dma_start3A_899 = tpu.memref_slice %arg3[%dma_start3A_898, %multiple_of3A_895] : memref<64x1000000xf32, #tpu.memory_space<hbm>> -> memref<64x128xf32, #tpu.memory_space<hbm>>
      tpu.enqueue_dma source(%dma_start3A_899 : memref<64x128xf32, #tpu.memory_space<hbm>>) target(%arg7 : memref<64x128xf32, #tpu.memory_space<vmem>>) target_semaphore(%arg9 : memref<!tpu.dma_semaphore, #tpu.memory_space<semaphore_mem>>)
      %slice3A_900 = vector.extract_strided_slice %get3A_40 {offsets = [10], sizes = [1], strides = [1]} : vector<16xi32> to vector<1xi32>
      %squeeze3A_901 = vector.extract %slice3A_900[0] : i32 from vector<1xi32>
      %jit3A_902 = arith.constant 128 : i32
      %eq3A_903 = arith.constant 0 : i32
      %eq3A_904 = arith.cmpi eq, %jit3A_902, %eq3A_903 : i32
      %jit3A_905 = arith.constant 1 : i32
      %select_n3A_906 = arith.select %eq3A_904, %jit3A_905, %jit3A_902 : i32
      %rem3A_907 = arith.remsi %squeeze3A_901, %select_n3A_906 : i32
      %ne3A_908 = arith.constant 0 : i32
      %ne3A_909 = arith.cmpi ne, %rem3A_907, %ne3A_908 : i32
      %lt3A_910 = arith.constant 0 : i32
      %lt3A_911 = arith.cmpi slt, %rem3A_907, %lt3A_910 : i32
      %lt3A_912 = arith.constant 0 : i32
      %lt3A_913 = arith.cmpi slt, %select_n3A_906, %lt3A_912 : i32
      %ne3A_914 = arith.xori %lt3A_911, %lt3A_913 : i1
      %and3A_915 = arith.andi %ne3A_914, %ne3A_909 : i1
      %add3A_916 = arith.addi %rem3A_907, %select_n3A_906 : i32
      %select_n3A_917 = arith.select %and3A_915, %add3A_916, %rem3A_907 : i32
      %broadcast_in_dim3A_918 = vector.broadcast %select_n3A_917 : i32 to vector<16xi32>
      %broadcast_in_dim3A_919 = vector.broadcast %add3A_860 : i32 to vector<16xi32>
      %add3A_920 = arith.constant 0 : i32
      %add3A_921 = vector.broadcast %add3A_920 : i32 to vector<16xi32>
      %add3A_922 = arith.addi %iota3A, %add3A_921 : vector<16xi32>
      %gather3A_923 = tpu.vector_load_idx %arg6[%add3A_922, %broadcast_in_dim3A_918] : memref<64x128xf32, #tpu.memory_space<vmem>>[vector<16xi32>, vector<16xi32>], vector<16xf32>,
      tpu.vector_store_idx %arg8[%add3A_922, %broadcast_in_dim3A_919], %gather3A_923 : memref<64x256xf32, #tpu.memory_space<vmem>>[vector<16xi32>, vector<16xi32>], vector<16xf32>,
      %add3A_924 = arith.constant 16 : i32
      %add3A_925 = vector.broadcast %add3A_924 : i32 to vector<16xi32>
      %add3A_926 = arith.addi %iota3A, %add3A_925 : vector<16xi32>
      %gather3A_927 = tpu.vector_load_idx %arg6[%add3A_926, %broadcast_in_dim3A_918] : memref<64x128xf32, #tpu.memory_space<vmem>>[vector<16xi32>, vector<16xi32>], vector<16xf32>,
      tpu.vector_store_idx %arg8[%add3A_926, %broadcast_in_dim3A_919], %gather3A_927 : memref<64x256xf32, #tpu.memory_space<vmem>>[vector<16xi32>, vector<16xi32>], vector<16xf32>,
      %add3A_928 = arith.constant 32 : i32
      %add3A_929 = vector.broadcast %add3A_928 : i32 to vector<16xi32>
      %add3A_930 = arith.addi %iota3A, %add3A_929 : vector<16xi32>
      %gather3A_931 = tpu.vector_load_idx %arg6[%add3A_930, %broadcast_in_dim3A_918] : memref<64x128xf32, #tpu.memory_space<vmem>>[vector<16xi32>, vector<16xi32>], vector<16xf32>,
      tpu.vector_store_idx %arg8[%add3A_930, %broadcast_in_dim3A_919], %gather3A_931 : memref<64x256xf32, #tpu.memory_space<vmem>>[vector<16xi32>, vector<16xi32>], vector<16xf32>,
      %add3A_932 = arith.constant 48 : i32
      %add3A_933 = vector.broadcast %add3A_932 : i32 to vector<16xi32>
      %add3A_934 = arith.addi %iota3A, %add3A_933 : vector<16xi32>
      %gather3A_935 = tpu.vector_load_idx %arg6[%add3A_934, %broadcast_in_dim3A_918] : memref<64x128xf32, #tpu.memory_space<vmem>>[vector<16xi32>, vector<16xi32>], vector<16xf32>,
      tpu.vector_store_idx %arg8[%add3A_934, %broadcast_in_dim3A_919], %gather3A_935 : memref<64x256xf32, #tpu.memory_space<vmem>>[vector<16xi32>, vector<16xi32>], vector<16xf32>,
      %mul3A_936 = arith.constant 16 : i32
      %mul3A_937 = arith.muli %scan3A_37, %mul3A_936 : i32
      %add3A_938 = arith.constant 11 : i32
      %add3A_939 = arith.addi %mul3A_937, %add3A_938 : i32
      %dma_wait3A_940 = arith.constant 0 : i32
      %dma_wait3A_941 = arith.constant 0 : i32
      %dma_wait3A_942 = tpu.memref_slice %arg3[%dma_wait3A_940, %dma_wait3A_941] : memref<64x1000000xf32, #tpu.memory_space<hbm>> -> memref<64x128xf32, #tpu.memory_space<hbm>>
      %dma_wait3A_943 = arith.constant 0 : i32
      %dma_wait3A_944 = arith.constant 0 : i32
      %dma_wait3A_945 = tpu.memref_slice %arg3[%dma_wait3A_943, %dma_wait3A_944] : memref<64x1000000xf32, #tpu.memory_space<hbm>> -> memref<64x128xf32, #tpu.memory_space<hbm>>
      tpu.wait_dma2 semaphore(%arg9 : memref<!tpu.dma_semaphore, #tpu.memory_space<semaphore_mem>>) src(%dma_wait3A_945 : memref<64x128xf32, #tpu.memory_space<hbm>>) dst(%arg7 : memref<64x128xf32, #tpu.memory_space<vmem>>)
      %slice3A_946 = vector.extract_strided_slice %get3A_40 {offsets = [12], sizes = [1], strides = [1]} : vector<16xi32> to vector<1xi32>
      %squeeze3A_947 = vector.extract %slice3A_946[0] : i32 from vector<1xi32>
      %jit3A_948 = arith.constant 128 : i32
      %div3A_949 = arith.divsi %squeeze3A_947, %jit3A_948 : i32
      %sign3A_950 = arith.constant 0 : i32
      %sign3A_951 = arith.cmpi sgt, %squeeze3A_947, %sign3A_950 : i32
      %sign3A_952 = arith.extui %sign3A_951 : i1 to i32
      %sign3A_953 = arith.constant 0 : i32
      %sign3A_954 = arith.cmpi slt, %squeeze3A_947, %sign3A_953 : i32
      %sign3A_955 = arith.extui %sign3A_954 : i1 to i32
      %sign3A_956 = arith.subi %sign3A_952, %sign3A_955 : i32
      %sign3A_957 = arith.constant 0 : i32
      %sign3A_958 = arith.cmpi sgt, %jit3A_948, %sign3A_957 : i32
      %sign3A_959 = arith.extui %sign3A_958 : i1 to i32
      %sign3A_960 = arith.constant 0 : i32
      %sign3A_961 = arith.cmpi slt, %jit3A_948, %sign3A_960 : i32
      %sign3A_962 = arith.extui %sign3A_961 : i1 to i32
      %sign3A_963 = arith.subi %sign3A_959, %sign3A_962 : i32
      %ne3A_964 = arith.cmpi ne, %sign3A_956, %sign3A_963 : i32
      %rem3A_965 = arith.remsi %squeeze3A_947, %jit3A_948 : i32
      %ne3A_966 = arith.constant 0 : i32
      %ne3A_967 = arith.cmpi ne, %rem3A_965, %ne3A_966 : i32
      %and3A_968 = arith.andi %ne3A_964, %ne3A_967 : i1
      %sub3A_969 = arith.constant 1 : i32
      %sub3A_970 = arith.subi %div3A_949, %sub3A_969 : i32
      %select_n3A_971 = arith.select %and3A_968, %sub3A_970, %div3A_949 : i32
      %mul3A_972 = arith.constant 128 : i32
      %mul3A_973 = arith.muli %select_n3A_971, %mul3A_972 : i32
      %multiple_of3A_974 = tpu.assume_multiple %mul3A_973, 128 : i32
      %dma_start3A_975 = arith.constant 0 : i32
      %dma_start3A_976 = tpu.memref_slice %arg3[%dma_start3A_975, %multiple_of3A_974] : memref<64x1000000xf32, #tpu.memory_space<hbm>> -> memref<64x128xf32, #tpu.memory_space<hbm>>
      %dma_start3A_977 = arith.constant 0 : i32
      %dma_start3A_978 = tpu.memref_slice %arg3[%dma_start3A_977, %multiple_of3A_974] : memref<64x1000000xf32, #tpu.memory_space<hbm>> -> memref<64x128xf32, #tpu.memory_space<hbm>>
      tpu.enqueue_dma source(%dma_start3A_978 : memref<64x128xf32, #tpu.memory_space<hbm>>) target(%arg6 : memref<64x128xf32, #tpu.memory_space<vmem>>) target_semaphore(%arg9 : memref<!tpu.dma_semaphore, #tpu.memory_space<semaphore_mem>>)
      %slice3A_979 = vector.extract_strided_slice %get3A_40 {offsets = [11], sizes = [1], strides = [1]} : vector<16xi32> to vector<1xi32>
      %squeeze3A_980 = vector.extract %slice3A_979[0] : i32 from vector<1xi32>
      %jit3A_981 = arith.constant 128 : i32
      %eq3A_982 = arith.constant 0 : i32
      %eq3A_983 = arith.cmpi eq, %jit3A_981, %eq3A_982 : i32
      %jit3A_984 = arith.constant 1 : i32
      %select_n3A_985 = arith.select %eq3A_983, %jit3A_984, %jit3A_981 : i32
      %rem3A_986 = arith.remsi %squeeze3A_980, %select_n3A_985 : i32
      %ne3A_987 = arith.constant 0 : i32
      %ne3A_988 = arith.cmpi ne, %rem3A_986, %ne3A_987 : i32
      %lt3A_989 = arith.constant 0 : i32
      %lt3A_990 = arith.cmpi slt, %rem3A_986, %lt3A_989 : i32
      %lt3A_991 = arith.constant 0 : i32
      %lt3A_992 = arith.cmpi slt, %select_n3A_985, %lt3A_991 : i32
      %ne3A_993 = arith.xori %lt3A_990, %lt3A_992 : i1
      %and3A_994 = arith.andi %ne3A_993, %ne3A_988 : i1
      %add3A_995 = arith.addi %rem3A_986, %select_n3A_985 : i32
      %select_n3A_996 = arith.select %and3A_994, %add3A_995, %rem3A_986 : i32
      %broadcast_in_dim3A_997 = vector.broadcast %select_n3A_996 : i32 to vector<16xi32>
      %broadcast_in_dim3A_998 = vector.broadcast %add3A_939 : i32 to vector<16xi32>
      %add3A_999 = arith.constant 0 : i32
      %add3A_1000 = vector.broadcast %add3A_999 : i32 to vector<16xi32>
      %add3A_1001 = arith.addi %iota3A, %add3A_1000 : vector<16xi32>
      %gather3A_1002 = tpu.vector_load_idx %arg7[%add3A_1001, %broadcast_in_dim3A_997] : memref<64x128xf32, #tpu.memory_space<vmem>>[vector<16xi32>, vector<16xi32>], vector<16xf32>,
      tpu.vector_store_idx %arg8[%add3A_1001, %broadcast_in_dim3A_998], %gather3A_1002 : memref<64x256xf32, #tpu.memory_space<vmem>>[vector<16xi32>, vector<16xi32>], vector<16xf32>,
      %add3A_1003 = arith.constant 16 : i32
      %add3A_1004 = vector.broadcast %add3A_1003 : i32 to vector<16xi32>
      %add3A_1005 = arith.addi %iota3A, %add3A_1004 : vector<16xi32>
      %gather3A_1006 = tpu.vector_load_idx %arg7[%add3A_1005, %broadcast_in_dim3A_997] : memref<64x128xf32, #tpu.memory_space<vmem>>[vector<16xi32>, vector<16xi32>], vector<16xf32>,
      tpu.vector_store_idx %arg8[%add3A_1005, %broadcast_in_dim3A_998], %gather3A_1006 : memref<64x256xf32, #tpu.memory_space<vmem>>[vector<16xi32>, vector<16xi32>], vector<16xf32>,
      %add3A_1007 = arith.constant 32 : i32
      %add3A_1008 = vector.broadcast %add3A_1007 : i32 to vector<16xi32>
      %add3A_1009 = arith.addi %iota3A, %add3A_1008 : vector<16xi32>
      %gather3A_1010 = tpu.vector_load_idx %arg7[%add3A_1009, %broadcast_in_dim3A_997] : memref<64x128xf32, #tpu.memory_space<vmem>>[vector<16xi32>, vector<16xi32>], vector<16xf32>,
      tpu.vector_store_idx %arg8[%add3A_1009, %broadcast_in_dim3A_998], %gather3A_1010 : memref<64x256xf32, #tpu.memory_space<vmem>>[vector<16xi32>, vector<16xi32>], vector<16xf32>,
      %add3A_1011 = arith.constant 48 : i32
      %add3A_1012 = vector.broadcast %add3A_1011 : i32 to vector<16xi32>
      %add3A_1013 = arith.addi %iota3A, %add3A_1012 : vector<16xi32>
      %gather3A_1014 = tpu.vector_load_idx %arg7[%add3A_1013, %broadcast_in_dim3A_997] : memref<64x128xf32, #tpu.memory_space<vmem>>[vector<16xi32>, vector<16xi32>], vector<16xf32>,
      tpu.vector_store_idx %arg8[%add3A_1013, %broadcast_in_dim3A_998], %gather3A_1014 : memref<64x256xf32, #tpu.memory_space<vmem>>[vector<16xi32>, vector<16xi32>], vector<16xf32>,
      %mul3A_1015 = arith.constant 16 : i32
      %mul3A_1016 = arith.muli %scan3A_37, %mul3A_1015 : i32
      %add3A_1017 = arith.constant 12 : i32
      %add3A_1018 = arith.addi %mul3A_1016, %add3A_1017 : i32
      %dma_wait3A_1019 = arith.constant 0 : i32
      %dma_wait3A_1020 = arith.constant 0 : i32
      %dma_wait3A_1021 = tpu.memref_slice %arg3[%dma_wait3A_1019, %dma_wait3A_1020] : memref<64x1000000xf32, #tpu.memory_space<hbm>> -> memref<64x128xf32, #tpu.memory_space<hbm>>
      %dma_wait3A_1022 = arith.constant 0 : i32
      %dma_wait3A_1023 = arith.constant 0 : i32
      %dma_wait3A_1024 = tpu.memref_slice %arg3[%dma_wait3A_1022, %dma_wait3A_1023] : memref<64x1000000xf32, #tpu.memory_space<hbm>> -> memref<64x128xf32, #tpu.memory_space<hbm>>
      tpu.wait_dma2 semaphore(%arg9 : memref<!tpu.dma_semaphore, #tpu.memory_space<semaphore_mem>>) src(%dma_wait3A_1024 : memref<64x128xf32, #tpu.memory_space<hbm>>) dst(%arg6 : memref<64x128xf32, #tpu.memory_space<vmem>>)
      %slice3A_1025 = vector.extract_strided_slice %get3A_40 {offsets = [13], sizes = [1], strides = [1]} : vector<16xi32> to vector<1xi32>
      %squeeze3A_1026 = vector.extract %slice3A_1025[0] : i32 from vector<1xi32>
      %jit3A_1027 = arith.constant 128 : i32
      %div3A_1028 = arith.divsi %squeeze3A_1026, %jit3A_1027 : i32
      %sign3A_1029 = arith.constant 0 : i32
      %sign3A_1030 = arith.cmpi sgt, %squeeze3A_1026, %sign3A_1029 : i32
      %sign3A_1031 = arith.extui %sign3A_1030 : i1 to i32
      %sign3A_1032 = arith.constant 0 : i32
      %sign3A_1033 = arith.cmpi slt, %squeeze3A_1026, %sign3A_1032 : i32
      %sign3A_1034 = arith.extui %sign3A_1033 : i1 to i32
      %sign3A_1035 = arith.subi %sign3A_1031, %sign3A_1034 : i32
      %sign3A_1036 = arith.constant 0 : i32
      %sign3A_1037 = arith.cmpi sgt, %jit3A_1027, %sign3A_1036 : i32
      %sign3A_1038 = arith.extui %sign3A_1037 : i1 to i32
      %sign3A_1039 = arith.constant 0 : i32
      %sign3A_1040 = arith.cmpi slt, %jit3A_1027, %sign3A_1039 : i32
      %sign3A_1041 = arith.extui %sign3A_1040 : i1 to i32
      %sign3A_1042 = arith.subi %sign3A_1038, %sign3A_1041 : i32
      %ne3A_1043 = arith.cmpi ne, %sign3A_1035, %sign3A_1042 : i32
      %rem3A_1044 = arith.remsi %squeeze3A_1026, %jit3A_1027 : i32
      %ne3A_1045 = arith.constant 0 : i32
      %ne3A_1046 = arith.cmpi ne, %rem3A_1044, %ne3A_1045 : i32
      %and3A_1047 = arith.andi %ne3A_1043, %ne3A_1046 : i1
      %sub3A_1048 = arith.constant 1 : i32
      %sub3A_1049 = arith.subi %div3A_1028, %sub3A_1048 : i32
      %select_n3A_1050 = arith.select %and3A_1047, %sub3A_1049, %div3A_1028 : i32
      %mul3A_1051 = arith.constant 128 : i32
      %mul3A_1052 = arith.muli %select_n3A_1050, %mul3A_1051 : i32
      %multiple_of3A_1053 = tpu.assume_multiple %mul3A_1052, 128 : i32
      %dma_start3A_1054 = arith.constant 0 : i32
      %dma_start3A_1055 = tpu.memref_slice %arg3[%dma_start3A_1054, %multiple_of3A_1053] : memref<64x1000000xf32, #tpu.memory_space<hbm>> -> memref<64x128xf32, #tpu.memory_space<hbm>>
      %dma_start3A_1056 = arith.constant 0 : i32
      %dma_start3A_1057 = tpu.memref_slice %arg3[%dma_start3A_1056, %multiple_of3A_1053] : memref<64x1000000xf32, #tpu.memory_space<hbm>> -> memref<64x128xf32, #tpu.memory_space<hbm>>
      tpu.enqueue_dma source(%dma_start3A_1057 : memref<64x128xf32, #tpu.memory_space<hbm>>) target(%arg7 : memref<64x128xf32, #tpu.memory_space<vmem>>) target_semaphore(%arg9 : memref<!tpu.dma_semaphore, #tpu.memory_space<semaphore_mem>>)
      %slice3A_1058 = vector.extract_strided_slice %get3A_40 {offsets = [12], sizes = [1], strides = [1]} : vector<16xi32> to vector<1xi32>
      %squeeze3A_1059 = vector.extract %slice3A_1058[0] : i32 from vector<1xi32>
      %jit3A_1060 = arith.constant 128 : i32
      %eq3A_1061 = arith.constant 0 : i32
      %eq3A_1062 = arith.cmpi eq, %jit3A_1060, %eq3A_1061 : i32
      %jit3A_1063 = arith.constant 1 : i32
      %select_n3A_1064 = arith.select %eq3A_1062, %jit3A_1063, %jit3A_1060 : i32
      %rem3A_1065 = arith.remsi %squeeze3A_1059, %select_n3A_1064 : i32
      %ne3A_1066 = arith.constant 0 : i32
      %ne3A_1067 = arith.cmpi ne, %rem3A_1065, %ne3A_1066 : i32
      %lt3A_1068 = arith.constant 0 : i32
      %lt3A_1069 = arith.cmpi slt, %rem3A_1065, %lt3A_1068 : i32
      %lt3A_1070 = arith.constant 0 : i32
      %lt3A_1071 = arith.cmpi slt, %select_n3A_1064, %lt3A_1070 : i32
      %ne3A_1072 = arith.xori %lt3A_1069, %lt3A_1071 : i1
      %and3A_1073 = arith.andi %ne3A_1072, %ne3A_1067 : i1
      %add3A_1074 = arith.addi %rem3A_1065, %select_n3A_1064 : i32
      %select_n3A_1075 = arith.select %and3A_1073, %add3A_1074, %rem3A_1065 : i32
      %broadcast_in_dim3A_1076 = vector.broadcast %select_n3A_1075 : i32 to vector<16xi32>
      %broadcast_in_dim3A_1077 = vector.broadcast %add3A_1018 : i32 to vector<16xi32>
      %add3A_1078 = arith.constant 0 : i32
      %add3A_1079 = vector.broadcast %add3A_1078 : i32 to vector<16xi32>
      %add3A_1080 = arith.addi %iota3A, %add3A_1079 : vector<16xi32>
      %gather3A_1081 = tpu.vector_load_idx %arg6[%add3A_1080, %broadcast_in_dim3A_1076] : memref<64x128xf32, #tpu.memory_space<vmem>>[vector<16xi32>, vector<16xi32>], vector<16xf32>,
      tpu.vector_store_idx %arg8[%add3A_1080, %broadcast_in_dim3A_1077], %gather3A_1081 : memref<64x256xf32, #tpu.memory_space<vmem>>[vector<16xi32>, vector<16xi32>], vector<16xf32>,
      %add3A_1082 = arith.constant 16 : i32
      %add3A_1083 = vector.broadcast %add3A_1082 : i32 to vector<16xi32>
      %add3A_1084 = arith.addi %iota3A, %add3A_1083 : vector<16xi32>
      %gather3A_1085 = tpu.vector_load_idx %arg6[%add3A_1084, %broadcast_in_dim3A_1076] : memref<64x128xf32, #tpu.memory_space<vmem>>[vector<16xi32>, vector<16xi32>], vector<16xf32>,
      tpu.vector_store_idx %arg8[%add3A_1084, %broadcast_in_dim3A_1077], %gather3A_1085 : memref<64x256xf32, #tpu.memory_space<vmem>>[vector<16xi32>, vector<16xi32>], vector<16xf32>,
      %add3A_1086 = arith.constant 32 : i32
      %add3A_1087 = vector.broadcast %add3A_1086 : i32 to vector<16xi32>
      %add3A_1088 = arith.addi %iota3A, %add3A_1087 : vector<16xi32>
      %gather3A_1089 = tpu.vector_load_idx %arg6[%add3A_1088, %broadcast_in_dim3A_1076] : memref<64x128xf32, #tpu.memory_space<vmem>>[vector<16xi32>, vector<16xi32>], vector<16xf32>,
      tpu.vector_store_idx %arg8[%add3A_1088, %broadcast_in_dim3A_1077], %gather3A_1089 : memref<64x256xf32, #tpu.memory_space<vmem>>[vector<16xi32>, vector<16xi32>], vector<16xf32>,
      %add3A_1090 = arith.constant 48 : i32
      %add3A_1091 = vector.broadcast %add3A_1090 : i32 to vector<16xi32>
      %add3A_1092 = arith.addi %iota3A, %add3A_1091 : vector<16xi32>
      %gather3A_1093 = tpu.vector_load_idx %arg6[%add3A_1092, %broadcast_in_dim3A_1076] : memref<64x128xf32, #tpu.memory_space<vmem>>[vector<16xi32>, vector<16xi32>], vector<16xf32>,
      tpu.vector_store_idx %arg8[%add3A_1092, %broadcast_in_dim3A_1077], %gather3A_1093 : memref<64x256xf32, #tpu.memory_space<vmem>>[vector<16xi32>, vector<16xi32>], vector<16xf32>,
      %mul3A_1094 = arith.constant 16 : i32
      %mul3A_1095 = arith.muli %scan3A_37, %mul3A_1094 : i32
      %add3A_1096 = arith.constant 13 : i32
      %add3A_1097 = arith.addi %mul3A_1095, %add3A_1096 : i32
      %dma_wait3A_1098 = arith.constant 0 : i32
      %dma_wait3A_1099 = arith.constant 0 : i32
      %dma_wait3A_1100 = tpu.memref_slice %arg3[%dma_wait3A_1098, %dma_wait3A_1099] : memref<64x1000000xf32, #tpu.memory_space<hbm>> -> memref<64x128xf32, #tpu.memory_space<hbm>>
      %dma_wait3A_1101 = arith.constant 0 : i32
      %dma_wait3A_1102 = arith.constant 0 : i32
      %dma_wait3A_1103 = tpu.memref_slice %arg3[%dma_wait3A_1101, %dma_wait3A_1102] : memref<64x1000000xf32, #tpu.memory_space<hbm>> -> memref<64x128xf32, #tpu.memory_space<hbm>>
      tpu.wait_dma2 semaphore(%arg9 : memref<!tpu.dma_semaphore, #tpu.memory_space<semaphore_mem>>) src(%dma_wait3A_1103 : memref<64x128xf32, #tpu.memory_space<hbm>>) dst(%arg7 : memref<64x128xf32, #tpu.memory_space<vmem>>)
      %slice3A_1104 = vector.extract_strided_slice %get3A_40 {offsets = [14], sizes = [1], strides = [1]} : vector<16xi32> to vector<1xi32>
      %squeeze3A_1105 = vector.extract %slice3A_1104[0] : i32 from vector<1xi32>
      %jit3A_1106 = arith.constant 128 : i32
      %div3A_1107 = arith.divsi %squeeze3A_1105, %jit3A_1106 : i32
      %sign3A_1108 = arith.constant 0 : i32
      %sign3A_1109 = arith.cmpi sgt, %squeeze3A_1105, %sign3A_1108 : i32
      %sign3A_1110 = arith.extui %sign3A_1109 : i1 to i32
      %sign3A_1111 = arith.constant 0 : i32
      %sign3A_1112 = arith.cmpi slt, %squeeze3A_1105, %sign3A_1111 : i32
      %sign3A_1113 = arith.extui %sign3A_1112 : i1 to i32
      %sign3A_1114 = arith.subi %sign3A_1110, %sign3A_1113 : i32
      %sign3A_1115 = arith.constant 0 : i32
      %sign3A_1116 = arith.cmpi sgt, %jit3A_1106, %sign3A_1115 : i32
      %sign3A_1117 = arith.extui %sign3A_1116 : i1 to i32
      %sign3A_1118 = arith.constant 0 : i32
      %sign3A_1119 = arith.cmpi slt, %jit3A_1106, %sign3A_1118 : i32
      %sign3A_1120 = arith.extui %sign3A_1119 : i1 to i32
      %sign3A_1121 = arith.subi %sign3A_1117, %sign3A_1120 : i32
      %ne3A_1122 = arith.cmpi ne, %sign3A_1114, %sign3A_1121 : i32
      %rem3A_1123 = arith.remsi %squeeze3A_1105, %jit3A_1106 : i32
      %ne3A_1124 = arith.constant 0 : i32
      %ne3A_1125 = arith.cmpi ne, %rem3A_1123, %ne3A_1124 : i32
      %and3A_1126 = arith.andi %ne3A_1122, %ne3A_1125 : i1
      %sub3A_1127 = arith.constant 1 : i32
      %sub3A_1128 = arith.subi %div3A_1107, %sub3A_1127 : i32
      %select_n3A_1129 = arith.select %and3A_1126, %sub3A_1128, %div3A_1107 : i32
      %mul3A_1130 = arith.constant 128 : i32
      %mul3A_1131 = arith.muli %select_n3A_1129, %mul3A_1130 : i32
      %multiple_of3A_1132 = tpu.assume_multiple %mul3A_1131, 128 : i32
      %dma_start3A_1133 = arith.constant 0 : i32
      %dma_start3A_1134 = tpu.memref_slice %arg3[%dma_start3A_1133, %multiple_of3A_1132] : memref<64x1000000xf32, #tpu.memory_space<hbm>> -> memref<64x128xf32, #tpu.memory_space<hbm>>
      %dma_start3A_1135 = arith.constant 0 : i32
      %dma_start3A_1136 = tpu.memref_slice %arg3[%dma_start3A_1135, %multiple_of3A_1132] : memref<64x1000000xf32, #tpu.memory_space<hbm>> -> memref<64x128xf32, #tpu.memory_space<hbm>>
      tpu.enqueue_dma source(%dma_start3A_1136 : memref<64x128xf32, #tpu.memory_space<hbm>>) target(%arg6 : memref<64x128xf32, #tpu.memory_space<vmem>>) target_semaphore(%arg9 : memref<!tpu.dma_semaphore, #tpu.memory_space<semaphore_mem>>)
      %slice3A_1137 = vector.extract_strided_slice %get3A_40 {offsets = [13], sizes = [1], strides = [1]} : vector<16xi32> to vector<1xi32>
      %squeeze3A_1138 = vector.extract %slice3A_1137[0] : i32 from vector<1xi32>
      %jit3A_1139 = arith.constant 128 : i32
      %eq3A_1140 = arith.constant 0 : i32
      %eq3A_1141 = arith.cmpi eq, %jit3A_1139, %eq3A_1140 : i32
      %jit3A_1142 = arith.constant 1 : i32
      %select_n3A_1143 = arith.select %eq3A_1141, %jit3A_1142, %jit3A_1139 : i32
      %rem3A_1144 = arith.remsi %squeeze3A_1138, %select_n3A_1143 : i32
      %ne3A_1145 = arith.constant 0 : i32
      %ne3A_1146 = arith.cmpi ne, %rem3A_1144, %ne3A_1145 : i32
      %lt3A_1147 = arith.constant 0 : i32
      %lt3A_1148 = arith.cmpi slt, %rem3A_1144, %lt3A_1147 : i32
      %lt3A_1149 = arith.constant 0 : i32
      %lt3A_1150 = arith.cmpi slt, %select_n3A_1143, %lt3A_1149 : i32
      %ne3A_1151 = arith.xori %lt3A_1148, %lt3A_1150 : i1
      %and3A_1152 = arith.andi %ne3A_1151, %ne3A_1146 : i1
      %add3A_1153 = arith.addi %rem3A_1144, %select_n3A_1143 : i32
      %select_n3A_1154 = arith.select %and3A_1152, %add3A_1153, %rem3A_1144 : i32
      %broadcast_in_dim3A_1155 = vector.broadcast %select_n3A_1154 : i32 to vector<16xi32>
      %broadcast_in_dim3A_1156 = vector.broadcast %add3A_1097 : i32 to vector<16xi32>
      %add3A_1157 = arith.constant 0 : i32
      %add3A_1158 = vector.broadcast %add3A_1157 : i32 to vector<16xi32>
      %add3A_1159 = arith.addi %iota3A, %add3A_1158 : vector<16xi32>
      %gather3A_1160 = tpu.vector_load_idx %arg7[%add3A_1159, %broadcast_in_dim3A_1155] : memref<64x128xf32, #tpu.memory_space<vmem>>[vector<16xi32>, vector<16xi32>], vector<16xf32>,
      tpu.vector_store_idx %arg8[%add3A_1159, %broadcast_in_dim3A_1156], %gather3A_1160 : memref<64x256xf32, #tpu.memory_space<vmem>>[vector<16xi32>, vector<16xi32>], vector<16xf32>,
      %add3A_1161 = arith.constant 16 : i32
      %add3A_1162 = vector.broadcast %add3A_1161 : i32 to vector<16xi32>
      %add3A_1163 = arith.addi %iota3A, %add3A_1162 : vector<16xi32>
      %gather3A_1164 = tpu.vector_load_idx %arg7[%add3A_1163, %broadcast_in_dim3A_1155] : memref<64x128xf32, #tpu.memory_space<vmem>>[vector<16xi32>, vector<16xi32>], vector<16xf32>,
      tpu.vector_store_idx %arg8[%add3A_1163, %broadcast_in_dim3A_1156], %gather3A_1164 : memref<64x256xf32, #tpu.memory_space<vmem>>[vector<16xi32>, vector<16xi32>], vector<16xf32>,
      %add3A_1165 = arith.constant 32 : i32
      %add3A_1166 = vector.broadcast %add3A_1165 : i32 to vector<16xi32>
      %add3A_1167 = arith.addi %iota3A, %add3A_1166 : vector<16xi32>
      %gather3A_1168 = tpu.vector_load_idx %arg7[%add3A_1167, %broadcast_in_dim3A_1155] : memref<64x128xf32, #tpu.memory_space<vmem>>[vector<16xi32>, vector<16xi32>], vector<16xf32>,
      tpu.vector_store_idx %arg8[%add3A_1167, %broadcast_in_dim3A_1156], %gather3A_1168 : memref<64x256xf32, #tpu.memory_space<vmem>>[vector<16xi32>, vector<16xi32>], vector<16xf32>,
      %add3A_1169 = arith.constant 48 : i32
      %add3A_1170 = vector.broadcast %add3A_1169 : i32 to vector<16xi32>
      %add3A_1171 = arith.addi %iota3A, %add3A_1170 : vector<16xi32>
      %gather3A_1172 = tpu.vector_load_idx %arg7[%add3A_1171, %broadcast_in_dim3A_1155] : memref<64x128xf32, #tpu.memory_space<vmem>>[vector<16xi32>, vector<16xi32>], vector<16xf32>,
      tpu.vector_store_idx %arg8[%add3A_1171, %broadcast_in_dim3A_1156], %gather3A_1172 : memref<64x256xf32, #tpu.memory_space<vmem>>[vector<16xi32>, vector<16xi32>], vector<16xf32>,
      %mul3A_1173 = arith.constant 16 : i32
      %mul3A_1174 = arith.muli %scan3A_37, %mul3A_1173 : i32
      %add3A_1175 = arith.constant 14 : i32
      %add3A_1176 = arith.addi %mul3A_1174, %add3A_1175 : i32
      %dma_wait3A_1177 = arith.constant 0 : i32
      %dma_wait3A_1178 = arith.constant 0 : i32
      %dma_wait3A_1179 = tpu.memref_slice %arg3[%dma_wait3A_1177, %dma_wait3A_1178] : memref<64x1000000xf32, #tpu.memory_space<hbm>> -> memref<64x128xf32, #tpu.memory_space<hbm>>
      %dma_wait3A_1180 = arith.constant 0 : i32
      %dma_wait3A_1181 = arith.constant 0 : i32
      %dma_wait3A_1182 = tpu.memref_slice %arg3[%dma_wait3A_1180, %dma_wait3A_1181] : memref<64x1000000xf32, #tpu.memory_space<hbm>> -> memref<64x128xf32, #tpu.memory_space<hbm>>
      tpu.wait_dma2 semaphore(%arg9 : memref<!tpu.dma_semaphore, #tpu.memory_space<semaphore_mem>>) src(%dma_wait3A_1182 : memref<64x128xf32, #tpu.memory_space<hbm>>) dst(%arg6 : memref<64x128xf32, #tpu.memory_space<vmem>>)
      %slice3A_1183 = vector.extract_strided_slice %get3A_40 {offsets = [15], sizes = [1], strides = [1]} : vector<16xi32> to vector<1xi32>
      %squeeze3A_1184 = vector.extract %slice3A_1183[0] : i32 from vector<1xi32>
      %jit3A_1185 = arith.constant 128 : i32
      %div3A_1186 = arith.divsi %squeeze3A_1184, %jit3A_1185 : i32
      %sign3A_1187 = arith.constant 0 : i32
      %sign3A_1188 = arith.cmpi sgt, %squeeze3A_1184, %sign3A_1187 : i32
      %sign3A_1189 = arith.extui %sign3A_1188 : i1 to i32
      %sign3A_1190 = arith.constant 0 : i32
      %sign3A_1191 = arith.cmpi slt, %squeeze3A_1184, %sign3A_1190 : i32
      %sign3A_1192 = arith.extui %sign3A_1191 : i1 to i32
      %sign3A_1193 = arith.subi %sign3A_1189, %sign3A_1192 : i32
      %sign3A_1194 = arith.constant 0 : i32
      %sign3A_1195 = arith.cmpi sgt, %jit3A_1185, %sign3A_1194 : i32
      %sign3A_1196 = arith.extui %sign3A_1195 : i1 to i32
      %sign3A_1197 = arith.constant 0 : i32
      %sign3A_1198 = arith.cmpi slt, %jit3A_1185, %sign3A_1197 : i32
      %sign3A_1199 = arith.extui %sign3A_1198 : i1 to i32
      %sign3A_1200 = arith.subi %sign3A_1196, %sign3A_1199 : i32
      %ne3A_1201 = arith.cmpi ne, %sign3A_1193, %sign3A_1200 : i32
      %rem3A_1202 = arith.remsi %squeeze3A_1184, %jit3A_1185 : i32
      %ne3A_1203 = arith.constant 0 : i32
      %ne3A_1204 = arith.cmpi ne, %rem3A_1202, %ne3A_1203 : i32
      %and3A_1205 = arith.andi %ne3A_1201, %ne3A_1204 : i1
      %sub3A_1206 = arith.constant 1 : i32
      %sub3A_1207 = arith.subi %div3A_1186, %sub3A_1206 : i32
      %select_n3A_1208 = arith.select %and3A_1205, %sub3A_1207, %div3A_1186 : i32
      %mul3A_1209 = arith.constant 128 : i32
      %mul3A_1210 = arith.muli %select_n3A_1208, %mul3A_1209 : i32
      %multiple_of3A_1211 = tpu.assume_multiple %mul3A_1210, 128 : i32
      %dma_start3A_1212 = arith.constant 0 : i32
      %dma_start3A_1213 = tpu.memref_slice %arg3[%dma_start3A_1212, %multiple_of3A_1211] : memref<64x1000000xf32, #tpu.memory_space<hbm>> -> memref<64x128xf32, #tpu.memory_space<hbm>>
      %dma_start3A_1214 = arith.constant 0 : i32
      %dma_start3A_1215 = tpu.memref_slice %arg3[%dma_start3A_1214, %multiple_of3A_1211] : memref<64x1000000xf32, #tpu.memory_space<hbm>> -> memref<64x128xf32, #tpu.memory_space<hbm>>
      tpu.enqueue_dma source(%dma_start3A_1215 : memref<64x128xf32, #tpu.memory_space<hbm>>) target(%arg7 : memref<64x128xf32, #tpu.memory_space<vmem>>) target_semaphore(%arg9 : memref<!tpu.dma_semaphore, #tpu.memory_space<semaphore_mem>>)
      %slice3A_1216 = vector.extract_strided_slice %get3A_40 {offsets = [14], sizes = [1], strides = [1]} : vector<16xi32> to vector<1xi32>
      %squeeze3A_1217 = vector.extract %slice3A_1216[0] : i32 from vector<1xi32>
      %jit3A_1218 = arith.constant 128 : i32
      %eq3A_1219 = arith.constant 0 : i32
      %eq3A_1220 = arith.cmpi eq, %jit3A_1218, %eq3A_1219 : i32
      %jit3A_1221 = arith.constant 1 : i32
      %select_n3A_1222 = arith.select %eq3A_1220, %jit3A_1221, %jit3A_1218 : i32
      %rem3A_1223 = arith.remsi %squeeze3A_1217, %select_n3A_1222 : i32
      %ne3A_1224 = arith.constant 0 : i32
      %ne3A_1225 = arith.cmpi ne, %rem3A_1223, %ne3A_1224 : i32
      %lt3A_1226 = arith.constant 0 : i32
      %lt3A_1227 = arith.cmpi slt, %rem3A_1223, %lt3A_1226 : i32
      %lt3A_1228 = arith.constant 0 : i32
      %lt3A_1229 = arith.cmpi slt, %select_n3A_1222, %lt3A_1228 : i32
      %ne3A_1230 = arith.xori %lt3A_1227, %lt3A_1229 : i1
      %and3A_1231 = arith.andi %ne3A_1230, %ne3A_1225 : i1
      %add3A_1232 = arith.addi %rem3A_1223, %select_n3A_1222 : i32
      %select_n3A_1233 = arith.select %and3A_1231, %add3A_1232, %rem3A_1223 : i32
      %broadcast_in_dim3A_1234 = vector.broadcast %select_n3A_1233 : i32 to vector<16xi32>
      %broadcast_in_dim3A_1235 = vector.broadcast %add3A_1176 : i32 to vector<16xi32>
      %add3A_1236 = arith.constant 0 : i32
      %add3A_1237 = vector.broadcast %add3A_1236 : i32 to vector<16xi32>
      %add3A_1238 = arith.addi %iota3A, %add3A_1237 : vector<16xi32>
      %gather3A_1239 = tpu.vector_load_idx %arg6[%add3A_1238, %broadcast_in_dim3A_1234] : memref<64x128xf32, #tpu.memory_space<vmem>>[vector<16xi32>, vector<16xi32>], vector<16xf32>,
      tpu.vector_store_idx %arg8[%add3A_1238, %broadcast_in_dim3A_1235], %gather3A_1239 : memref<64x256xf32, #tpu.memory_space<vmem>>[vector<16xi32>, vector<16xi32>], vector<16xf32>,
      %add3A_1240 = arith.constant 16 : i32
      %add3A_1241 = vector.broadcast %add3A_1240 : i32 to vector<16xi32>
      %add3A_1242 = arith.addi %iota3A, %add3A_1241 : vector<16xi32>
      %gather3A_1243 = tpu.vector_load_idx %arg6[%add3A_1242, %broadcast_in_dim3A_1234] : memref<64x128xf32, #tpu.memory_space<vmem>>[vector<16xi32>, vector<16xi32>], vector<16xf32>,
      tpu.vector_store_idx %arg8[%add3A_1242, %broadcast_in_dim3A_1235], %gather3A_1243 : memref<64x256xf32, #tpu.memory_space<vmem>>[vector<16xi32>, vector<16xi32>], vector<16xf32>,
      %add3A_1244 = arith.constant 32 : i32
      %add3A_1245 = vector.broadcast %add3A_1244 : i32 to vector<16xi32>
      %add3A_1246 = arith.addi %iota3A, %add3A_1245 : vector<16xi32>
      %gather3A_1247 = tpu.vector_load_idx %arg6[%add3A_1246, %broadcast_in_dim3A_1234] : memref<64x128xf32, #tpu.memory_space<vmem>>[vector<16xi32>, vector<16xi32>], vector<16xf32>,
      tpu.vector_store_idx %arg8[%add3A_1246, %broadcast_in_dim3A_1235], %gather3A_1247 : memref<64x256xf32, #tpu.memory_space<vmem>>[vector<16xi32>, vector<16xi32>], vector<16xf32>,
      %add3A_1248 = arith.constant 48 : i32
      %add3A_1249 = vector.broadcast %add3A_1248 : i32 to vector<16xi32>
      %add3A_1250 = arith.addi %iota3A, %add3A_1249 : vector<16xi32>
      %gather3A_1251 = tpu.vector_load_idx %arg6[%add3A_1250, %broadcast_in_dim3A_1234] : memref<64x128xf32, #tpu.memory_space<vmem>>[vector<16xi32>, vector<16xi32>], vector<16xf32>,
      tpu.vector_store_idx %arg8[%add3A_1250, %broadcast_in_dim3A_1235], %gather3A_1251 : memref<64x256xf32, #tpu.memory_space<vmem>>[vector<16xi32>, vector<16xi32>], vector<16xf32>,
      %mul3A_1252 = arith.constant 16 : i32
      %mul3A_1253 = arith.muli %scan3A_37, %mul3A_1252 : i32
      %add3A_1254 = arith.constant 15 : i32
      %add3A_1255 = arith.addi %mul3A_1253, %add3A_1254 : i32
      %dma_wait3A_1256 = arith.constant 0 : i32
      %dma_wait3A_1257 = arith.constant 0 : i32
      %dma_wait3A_1258 = tpu.memref_slice %arg3[%dma_wait3A_1256, %dma_wait3A_1257] : memref<64x1000000xf32, #tpu.memory_space<hbm>> -> memref<64x128xf32, #tpu.memory_space<hbm>>
      %dma_wait3A_1259 = arith.constant 0 : i32
      %dma_wait3A_1260 = arith.constant 0 : i32
      %dma_wait3A_1261 = tpu.memref_slice %arg3[%dma_wait3A_1259, %dma_wait3A_1260] : memref<64x1000000xf32, #tpu.memory_space<hbm>> -> memref<64x128xf32, #tpu.memory_space<hbm>>
      tpu.wait_dma2 semaphore(%arg9 : memref<!tpu.dma_semaphore, #tpu.memory_space<semaphore_mem>>) src(%dma_wait3A_1261 : memref<64x128xf32, #tpu.memory_space<hbm>>) dst(%arg7 : memref<64x128xf32, #tpu.memory_space<vmem>>)
      %slice3A_1262 = vector.extract_strided_slice %get3A_40 {offsets = [15], sizes = [1], strides = [1]} : vector<16xi32> to vector<1xi32>
      %squeeze3A_1263 = vector.extract %slice3A_1262[0] : i32 from vector<1xi32>
      %jit3A_1264 = arith.constant 128 : i32
      %eq3A_1265 = arith.constant 0 : i32
      %eq3A_1266 = arith.cmpi eq, %jit3A_1264, %eq3A_1265 : i32
      %jit3A_1267 = arith.constant 1 : i32
      %select_n3A_1268 = arith.select %eq3A_1266, %jit3A_1267, %jit3A_1264 : i32
      %rem3A_1269 = arith.remsi %squeeze3A_1263, %select_n3A_1268 : i32
      %ne3A_1270 = arith.constant 0 : i32
      %ne3A_1271 = arith.cmpi ne, %rem3A_1269, %ne3A_1270 : i32
      %lt3A_1272 = arith.constant 0 : i32
      %lt3A_1273 = arith.cmpi slt, %rem3A_1269, %lt3A_1272 : i32
      %lt3A_1274 = arith.constant 0 : i32
      %lt3A_1275 = arith.cmpi slt, %select_n3A_1268, %lt3A_1274 : i32
      %ne3A_1276 = arith.xori %lt3A_1273, %lt3A_1275 : i1
      %and3A_1277 = arith.andi %ne3A_1276, %ne3A_1271 : i1
      %add3A_1278 = arith.addi %rem3A_1269, %select_n3A_1268 : i32
      %select_n3A_1279 = arith.select %and3A_1277, %add3A_1278, %rem3A_1269 : i32
      %broadcast_in_dim3A_1280 = vector.broadcast %select_n3A_1279 : i32 to vector<16xi32>
      %broadcast_in_dim3A_1281 = vector.broadcast %add3A_1255 : i32 to vector<16xi32>
      %add3A_1282 = arith.constant 0 : i32
      %add3A_1283 = vector.broadcast %add3A_1282 : i32 to vector<16xi32>
      %add3A_1284 = arith.addi %iota3A, %add3A_1283 : vector<16xi32>
      %gather3A_1285 = tpu.vector_load_idx %arg7[%add3A_1284, %broadcast_in_dim3A_1280] : memref<64x128xf32, #tpu.memory_space<vmem>>[vector<16xi32>, vector<16xi32>], vector<16xf32>,
      tpu.vector_store_idx %arg8[%add3A_1284, %broadcast_in_dim3A_1281], %gather3A_1285 : memref<64x256xf32, #tpu.memory_space<vmem>>[vector<16xi32>, vector<16xi32>], vector<16xf32>,
      %add3A_1286 = arith.constant 16 : i32
      %add3A_1287 = vector.broadcast %add3A_1286 : i32 to vector<16xi32>
      %add3A_1288 = arith.addi %iota3A, %add3A_1287 : vector<16xi32>
      %gather3A_1289 = tpu.vector_load_idx %arg7[%add3A_1288, %broadcast_in_dim3A_1280] : memref<64x128xf32, #tpu.memory_space<vmem>>[vector<16xi32>, vector<16xi32>], vector<16xf32>,
      tpu.vector_store_idx %arg8[%add3A_1288, %broadcast_in_dim3A_1281], %gather3A_1289 : memref<64x256xf32, #tpu.memory_space<vmem>>[vector<16xi32>, vector<16xi32>], vector<16xf32>,
      %add3A_1290 = arith.constant 32 : i32
      %add3A_1291 = vector.broadcast %add3A_1290 : i32 to vector<16xi32>
      %add3A_1292 = arith.addi %iota3A, %add3A_1291 : vector<16xi32>
      %gather3A_1293 = tpu.vector_load_idx %arg7[%add3A_1292, %broadcast_in_dim3A_1280] : memref<64x128xf32, #tpu.memory_space<vmem>>[vector<16xi32>, vector<16xi32>], vector<16xf32>,
      tpu.vector_store_idx %arg8[%add3A_1292, %broadcast_in_dim3A_1281], %gather3A_1293 : memref<64x256xf32, #tpu.memory_space<vmem>>[vector<16xi32>, vector<16xi32>], vector<16xf32>,
      %add3A_1294 = arith.constant 48 : i32
      %add3A_1295 = vector.broadcast %add3A_1294 : i32 to vector<16xi32>
      %add3A_1296 = arith.addi %iota3A, %add3A_1295 : vector<16xi32>
      %gather3A_1297 = tpu.vector_load_idx %arg7[%add3A_1296, %broadcast_in_dim3A_1280] : memref<64x128xf32, #tpu.memory_space<vmem>>[vector<16xi32>, vector<16xi32>], vector<16xf32>,
      tpu.vector_store_idx %arg8[%add3A_1296, %broadcast_in_dim3A_1281], %gather3A_1297 : memref<64x256xf32, #tpu.memory_space<vmem>>[vector<16xi32>, vector<16xi32>], vector<16xf32>,
    }
    %scan3A_36 = arith.constant 16 : i32
    "tpu.region"() ({
      %run_scoped3A = tpu.sem_alloc : memref<!tpu.dma_semaphore, #tpu.memory_space<semaphore_mem>>
      %dma_start3A = arith.constant 0 : i32
      %dma_start3A_37 = tpu.memref_slice %arg4[%select_n3A, %dma_start3A, %select_n3A_32] : memref<4x64x2048xf32, #tpu.memory_space<hbm>> -> memref<1x64x256xf32, #tpu.memory_space<hbm>>
      %dma_start3A_38 = tpu.memref_squeeze %dma_start3A_37 : memref<1x64x256xf32, #tpu.memory_space<hbm>> -> memref<64x256xf32, #tpu.memory_space<hbm>>
      %dma_start3A_39 = arith.constant 0 : i32
      %dma_start3A_40 = tpu.memref_slice %arg4[%select_n3A, %dma_start3A_39, %select_n3A_32] : memref<4x64x2048xf32, #tpu.memory_space<hbm>> -> memref<1x64x256xf32, #tpu.memory_space<hbm>>
      %dma_start3A_41 = tpu.memref_squeeze %dma_start3A_40 : memref<1x64x256xf32, #tpu.memory_space<hbm>> -> memref<64x256xf32, #tpu.memory_space<hbm>>
      tpu.enqueue_dma source(%arg8 : memref<64x256xf32, #tpu.memory_space<vmem>>) target(%dma_start3A_41 : memref<64x256xf32, #tpu.memory_space<hbm>>) target_semaphore(%run_scoped3A : memref<!tpu.dma_semaphore, #tpu.memory_space<semaphore_mem>>)
      %dma_wait3A = arith.constant 0 : i32
      %dma_wait3A_42 = tpu.memref_slice %arg4[%select_n3A, %dma_wait3A, %select_n3A_32] : memref<4x64x2048xf32, #tpu.memory_space<hbm>> -> memref<1x64x256xf32, #tpu.memory_space<hbm>>
      %dma_wait3A_43 = tpu.memref_squeeze %dma_wait3A_42 : memref<1x64x256xf32, #tpu.memory_space<hbm>> -> memref<64x256xf32, #tpu.memory_space<hbm>>
      %dma_wait3A_44 = arith.constant 0 : i32
      %dma_wait3A_45 = tpu.memref_slice %arg4[%select_n3A, %dma_wait3A_44, %select_n3A_32] : memref<4x64x2048xf32, #tpu.memory_space<hbm>> -> memref<1x64x256xf32, #tpu.memory_space<hbm>>
      %dma_wait3A_46 = tpu.memref_squeeze %dma_wait3A_45 : memref<1x64x256xf32, #tpu.memory_space<hbm>> -> memref<64x256xf32, #tpu.memory_space<hbm>>
      tpu.wait_dma2 semaphore(%run_scoped3A : memref<!tpu.dma_semaphore, #tpu.memory_space<semaphore_mem>>) src(%arg8 : memref<64x256xf32, #tpu.memory_space<vmem>>) dst(%dma_wait3A_46 : memref<64x256xf32, #tpu.memory_space<hbm>>)
      tpu.yield
    }) : () -> ()
    return
  }
}

</mosaic_0001>

<sc_bundles>
// kernel: kernel.3.cloned.1.call-start
scs
__scs_entry_jumppad:
0x0: {  	(pc) =	sbr.rel $0x88, $3  }
0x1: {  	(tag) =	ssettag $0x0;
	lr =	simm.s32 $0x1  }
0x2: {  	[smem:$0x3F9F] =	sst lr;
	_ =	strace $0xD0000000  }
0x3: {  	_ = 	snop  }
0x4: {  	_ = 	snop  }
0x5: {  	_ = 	snop  }
0x6: {  	_ = 	snop  }
0x7: {  	_ = 	snop  }
__scs_overlays_trampoline_lowered:
0x8: {  	[smem:$0x3FAE] =	sst s0  }
0x9: {  	[smem:$0x3FAF] =	sst s1  }
0xa: {  	[smem:$0x3FB0] =	sst s2  }
0xb: {  	[smem:$0x3FB1] =	sst s3  }
0xc: {  	[smem:$0x3FB2] =	sst s4  }
0xd: {  	[smem:$0x3FB3] =	sst s5  }
0xe: {  	[smem:$0x3FB4] =	sst s6  }
0xf: {  	[smem:$0x3FB5] =	sst s7  }
0x10: {  	[smem:$0x3FB6] =	sst s8  }
0x11: {  	[smem:$0x3FB7] =	sst s9;
	s0 =	simm.s32 @!p0 $0x0  }
0x12: {  	s1 =	sld [smem:$0x3F9D];
	s0 =	simm.s32 @p0 $0x1  }
0x13: {  	[smem:$0x3FB8] =	sst s0;
	s0 =	simm.s32 @!p1 $0x0  }
0x14: {  	s2 =	sld [smem:$0x3F9C];
	s0 =	simm.s32 @p1 $0x1  }
0x15: {  	[smem:$0x3FB9] =	sst s0;
	s0 =	simm.s32 @!p2 $0x0  }
0x16: {  	s3 =	sld [smem:$0x3FDB];
	s0 =	simm.s32 @p2 $0x1  }
0x17: {  	s4 =	simm.s32 $0x1BF5;
	[smem:$0x3FBB] =	sst s0  }
0x18: {  	s0 =	sld [smem:$0x3F9E];
	_ =	swait.ge [sflag:s4], $0x0  }
0x19: {  	s7 =	sld [smem:$0x3F9F]  }
0x1a: {  	s8 =	sadd.s32 $0xFFFFE003, lr  }
0x1b: {  	s9 =	sadd.s32 $0xFFFFFEF7, lr;
	s5 =	simm.s32 $0xFFFFFFFF;
	p2 =	slt.u32 s8, $0xFFFFF086  }
0x1c: {  	p1 =	slt.u32 s9, $0xF7A;
	s5 =	simm.s32 @!p2 $0x0  }
0x1d: {  	s5 =	simm.s32 @p1 $0x1;
	p0 =	seq.s32 s7, s2  }
0x1e: {  	s7 =	smul.u32 @!p0 $0xF7A, s2;
	p2 =	seq.s32 @!p0 s5, $0x0  }
0x1f: {  	s9 =	smul.u32 $0xF7A, s1;
	s8 =	simm.s32 @!p0 $0x1BF5;
	p2 =	por !p2, p0  }
0x20: {  	[sflag:s8] =	ssyncset.s32 @!p0 $0xFFFFF086;
	s6 =	sadd.s32 @!p0 s3, s7;
	s7 =	simm.s32 @!p0 $0x108  }
0x21: {  	s3 =	sadd.s32 s3, s9;
	s6 =	sadd.s32 @!p0 $0x88, s6;
	s7 =	simm.s32 @p2 $0x1082  }
0x22: {  	[simem:s7], [sflag:s8] =	dma.local @!p0 [hbm:s6], $0xF7A  }
0x23: {  	s9 =	sor.u32 $0xD0000000, s2;
	s6 =	simm.s32 $0x108;
	_ =	swait.ge @!p0 [sflag:s8], $0x0  }
0x24: {  	s3 =	sadd.s32 $0x88, s3;
	s6 =	simm.s32 @!p1 $0x1082;
	[sflag:s4] =	ssyncset.s32 $0xFFFFF086  }
0x25: {  	[simem:s6], [sflag:s4] =	dma.local [hbm:s3], $0xF7A  }
0x26: {  	[smem:$0x3F9F] =	sst s1;
	(tag) =	ssettag s2;
	_ =	strace s9  }
0x27: {  	s1 =	sld [smem:$0x3FAF]  }
0x28: {  	s2 =	sld [smem:$0x3FB0]  }
0x29: {  	s4 =	sld [smem:$0x3FB2]  }
0x2a: {  	p0 =	seq.s32 s5, $0x0;
	s5 =	sld [smem:$0x3FB3]  }
0x2b: {  	s6 =	sld [smem:$0x3FB4]  }
0x2c: {  	s7 =	sld [smem:$0x3FB5]  }
0x2d: {  	s3 =	simm.s32 $0x108;
	s8 =	sld [smem:$0x3FB6]  }
0x2e: {  	s3 =	simm.s32 @!p0 $0x1082;
	s9 =	sld [smem:$0x3FB7]  }
0x2f: {  	lr =	sadd.s32 s0, s3;
	s0 =	sld [smem:$0x3FAE]  }
0x30: {  	s3 =	sld [smem:$0x3FB1]  }
0x31: {  	[smem:$0x3FBA] =	sst s10  }
0x32: {  	s10 =	sld [smem:$0x3FB8];
	_ =	sdelay $0x3  }
0x33: {  	p0 =	seq.s32 s10, $0x1;
	s10 =	sld [smem:$0x3FBA];
	_ =	sdelay $0x3  }
0x34: {  	[smem:$0x3FBA] =	sst s10  }
0x35: {  	s10 =	sld [smem:$0x3FB9];
	_ =	sdelay $0x3  }
0x36: {  	p1 =	seq.s32 s10, $0x1;
	s10 =	sld [smem:$0x3FBA];
	_ =	sdelay $0x3  }
0x37: {  	[smem:$0x3FBA] =	sst s10  }
0x38: {  	s10 =	sld [smem:$0x3FBB]  }
0x39: {  	_ = 	snop;
	(pc) =	sbr.ind lr, $3  }
0x3a: {  	_ = 	snop  }
0x3b: {  	_ = 	snop  }
0x3c: {  	p2 =	seq.s32 s10, $0x1;
	s10 =	sld [smem:$0x3FBA]  }
0x3d: {  	_ =	shalt  }
0x3e: {  	_ =	shalt  }
0x3f: {  	_ =	shalt  }
0x40: {  	_ =	shalt  }
0x41: {  	_ =	shalt  }
0x42: {  	_ =	shalt  }
0x43: {  	_ =	shalt  }
0x44: {  	_ =	shalt  }
0x45: {  	_ =	shalt  }
0x46: {  	_ =	shalt  }
0x47: {  	_ =	shalt  }
0x48: {  	_ =	shalt  }
0x49: {  	_ =	shalt  }
0x4a: {  	_ =	shalt  }
0x4b: {  	_ =	shalt  }
0x4c: {  	_ =	shalt  }
0x4d: {  	_ =	shalt  }
0x4e: {  	_ =	shalt  }
0x4f: {  	_ =	shalt  }
0x50: {  	_ =	shalt  }
0x51: {  	_ =	shalt  }
0x52: {  	_ =	shalt  }
0x53: {  	_ =	shalt  }
0x54: {  	_ =	shalt  }
0x55: {  	_ =	shalt  }
0x56: {  	_ =	shalt  }
0x57: {  	_ =	shalt  }
0x58: {  	_ =	shalt  }
0x59: {  	_ =	shalt  }
0x5a: {  	_ =	shalt  }
0x5b: {  	_ =	shalt  }
0x5c: {  	_ =	shalt  }
0x5d: {  	_ =	shalt  }
0x5e: {  	_ =	shalt  }
0x5f: {  	_ =	shalt  }
0x60: {  	_ =	shalt  }
0x61: {  	_ =	shalt  }
0x62: {  	_ =	shalt  }
0x63: {  	_ =	shalt  }
0x64: {  	_ =	shalt  }
0x65: {  	_ =	shalt  }
0x66: {  	_ =	shalt  }
0x67: {  	_ =	shalt  }
0x68: {  	_ =	shalt  }
0x69: {  	_ =	shalt  }
0x6a: {  	_ =	shalt  }
0x6b: {  	_ =	shalt  }
0x6c: {  	_ =	shalt  }
0x6d: {  	_ =	shalt  }
0x6e: {  	_ =	shalt  }
0x6f: {  	_ =	shalt  }
0x70: {  	_ =	shalt  }
0x71: {  	_ =	shalt  }
0x72: {  	_ =	shalt  }
0x73: {  	_ =	shalt  }
0x74: {  	_ =	shalt  }
0x75: {  	_ =	shalt  }
0x76: {  	_ =	shalt  }
0x77: {  	_ =	shalt  }
0x78: {  	_ =	shalt  }
0x79: {  	_ =	shalt  }
0x7a: {  	_ =	shalt  }
0x7b: {  	_ =	shalt  }
0x7c: {  	_ =	shalt  }
0x7d: {  	_ =	shalt  }
0x7e: {  	_ =	shalt  }
0x7f: {  	_ =	shalt  }
0x80: {  	_ =	shalt  }
0x81: {  	_ =	shalt  }
0x82: {  	_ =	shalt  }
0x83: {  	_ =	shalt  }
0x84: {  	_ =	shalt  }
0x85: {  	_ =	shalt  }
0x86: {  	_ =	shalt  }
0x87: {  	_ =	shalt  }
.Lfunc_end0:
.L_simem_size_0:
called_computation_lowered:
.L_overlay_start_0:
0x88: {  	s2 =	sld [smem:$0x3FD9]  }
0x89: {  	s3 =	sld [smem:$0x3FFE];
	_ =	sdelay $0x1  }
0x8a: {  	s1 =	srdreg.scid  }
0x8b: {  	s0 =	sand.u32 $0x1, s1  }
0x8c: {  	s17 =	sshll.u32 s0, $0xA;
	s2 =	sadd.s32 s3, s2  }
0x8d: {  	s2 =	sadd.s32 s2, s17  }
0x8e: {  	[smem:$0x3FC6] =	sst s2  }
0x8f: {  	_ = 	snop  }
0x90: {  	s2 =	sld [smem:$0x3FC8]  }
0x91: {  	s18 =	sld [smem:$0x3FD0];
	(tm) =	ssettm $0x1  }
0x92: {  	s4 =	sld [smem:$0x3FFB];
	_ =	sdelay $0x3  }
0x93: {  	_ =	strace s4  }
0x94: {  	s4 =	sld [smem:$0x3FFC];
	_ =	sdelay $0x3  }
0x95: {  	_ =	strace s4  }
0x96: {  	s4 =	sld [smem:$0x3FFD];
	_ =	sdelay $0x3  }
0x97: {  	_ =	strace s4  }
0x98: {  	_ =	strace $0x8FFFFFFF  }
0x99: {  	s19 =	sld [smem:$0x3FDB];
	_ =	sdelay $0x1  }
0x9a: {  	s5 =	simm.s32 $_scs_section_size  }
0x9b: {  	s6 =	simm.s32 $_size__tile_overlayer_lowered;
	s7 =	simm.s32 $_tile_overlayer_lowered  }
0x9c: {  	s22 =	simm.s32 $0x1BFF;
	s21 =	sshll.u32 s7, $0x1;
	s4 =	sadd.s32 s5, s19  }
0x9d: {  	s8 =	simm.s32 $0x0;
	s20 =	sshll.u32 s6, $0x1;
	s6 =	sadd.s32 s21, s4  }
0x9e: {  	[timem:s8], [sflag:s22] =	dma.local [hbm:s6], s20  }
0x9f: {  	_ =	swait.ge [sflag:s22], s20  }
0xa0: {  	s5 =	ssub.s32 $0x0, s20;
	[sflag:s22] =	ssyncset.done $0x0  }
0xa1: {  	[sflag:s22] =	ssyncadd.s32 s5;
	_ =	sdelay $0x1  }
0xa2: {  	s23 =	simm.s32 $0x1B8B  }
0xa3: {  	_ =	swait.ge [sflag:s23], $0x1  }
0xa4: {  	[sflag:s23] =	ssyncset.done $0x0  }
0xa5: {  	s25 =	simm.s32 $0x1B8E;
	s24 =	sld [smem:$0x3FFE];
	[sflag:s23] =	ssyncadd.s32 $0xFFFFFFFF  }
0xa6: {  	s26 =	simm.s32 $execute0_lowered;
	[smem:$0x3FD2] =	sst s25  }
0xa7: {  	s6 =	sshll.u32 s26, $0x1;
	_ =	strace $0x80000046;
	[dreg:$0x1] =	wrdreg $0xFFFFFFFF  }
0xa8: {  	s28 =	simm.s32 $_size_execute0_lowered;
	s4 =	sadd.s32 s4, s6;
	[dreg:$0x0] =	wrdreg $0x0  }
0xa9: {  	s6 =	sshll.u32 s28, $0x1;
	[dreg:$0x2] =	wrdreg s4  }
0xaa: {  	[dreg:$0x3] =	wrdreg s6  }
0xab: {  	[dreg:$0x4] =	wrdreg $0xC0  }
0xac: {  	_ =	task [dreg:s8], $0x5FFFF  }
0xad: {  	[dreg:$0x1] =	wrdreg $0xFFFFFFFF  }
0xae: {  	[dreg:$0x0] =	wrdreg $0x60  }
0xaf: {  	[dreg:$0x2] =	wrdreg s24  }
0xb0: {  	[dreg:$0x3] =	wrdreg s2  }
0xb1: {  	[dreg:$0x4] =	wrdreg s18  }
0xb2: {  	[dreg:$0x5] =	wrdreg $0x9  }
0xb3: {  	_ =	task.clear_ibuf [dreg:s8], $0x6FFFF;
	_ =	strace $0x90000046  }
0xb4: {  	s29 =	simm.s32 $0x9;
	_ =	strace $0x80000048  }
0xb5: {  	_ =	swait.ge [sflag:s29], $0x1  }
0xb6: {  	[sflag:s29] =	ssyncadd.s32 $0xFFFFFFFF  }
0xb7: {  	_ =	strace $0x90000048  }
0xb8: {  	_ =	sfence  }
0xb9: {  	s30 =	sld [smem:$0x0];
	_ =	sdelay $0x2  }
0xba: {  	s31 =	sshll.u32 s1, $0xD;
	s1 =	sshrl.u32 s1, $0x2  }
0xbb: {  	s3 =	sand.u32 $0x4000, s31;
	s1 =	sadd.s32 s1, s30  }
0xbc: {  	s0 =	sor.u32 s3, s0;
	s1 =	sshll.u32 s1, $0x11  }
0xbd: {  	s0 =	sor.u32 s1, s0  }
0xbe: {  	s0 =	sadd.s32 $0x8F2B, s0  }
0xbf: {  	[sflag:s0] =	ssyncadd.remote.s32 $0x1  }
0xc0: {  	_ =	sfence.sel $0xFFFF  }
0xc1: {  	[dreg:$0x0] =	wrdreg $0xFFFFFFFF;
	(pc) =	sbr.abs _section_cstart, $3  }
0xc2: {  	[dreg:$0x1] =	wrdreg $0xFFFFFFFF  }
0xc3: {  	_ =	task.clear_ibuf [dreg:s8], $0x2FFFF;
	_ =	strace $0x9FFFFFFF  }
0xc4: {  	(tm) =	ssettm $0x7FFFFFFF  }
0xc5: {  	_ =	shalt  }
tec
execute0_lowered:
.L_overlay_start_1:
0x0: {  	(tag) =	ssettag $0x1  }
0x1: {  	v0 =	vimm.s32 $0xB80;
	vm14 =	vcmask $0x300;
	vm13 =	vcmask $0x704  }
0x2: {  	vm12 =	vcmask $0xB08;
	vm11 =	vcmask $0xF0C;
	vm10 =	vcmask $0x1310  }
0x3: {  	vm9 =	vcmask $0x1714;
	vm8 =	vcmask $0x1B18;
	vm7 =	vcmask $0x1F1C  }
0x4: {  	vm6 =	vcmask $0x2320;
	vm5 =	vcmask $0x2724;
	vm4 =	vcmask $0x2B28  }
0x5: {  	vm3 =	vcmask $0x2F2C;
	v1 =	vlaneseq.u32;
	vm2 =	vcmask $0x3330  }
0x6: {  	vm1 =	vcmask $0x3734;
	vm0 =	vcmask $0x3B38;
	v3 =	vimm.s32 $0x1B80  }
0x7: {  	v4 =	vimm.s32 $0x2B80;
	v5 =	vimm.s32 $0x3B80;
	v0 =	vsel vm14, $0x0, v0  }
0x8: {  	v3 =	vsel vm14, $0x1000, v3;
	v4 =	vsel vm14, $0x2000, v4;
	v5 =	vsel vm14, $0x3000, v5  }
0x9: {  	v0 =	vsel vm13, $0x80, v0;
	v3 =	vsel vm13, $0x1080, v3;
	v4 =	vsel vm13, $0x2080, v4  }
0xa: {  	v5 =	vsel vm13, $0x3080, v5;
	v0 =	vsel vm12, $0x100, v0;
	v3 =	vsel vm12, $0x1100, v3  }
0xb: {  	v4 =	vsel vm12, $0x2100, v4;
	v5 =	vsel vm12, $0x3100, v5;
	v0 =	vsel vm11, $0x180, v0  }
0xc: {  	v3 =	vsel vm11, $0x1180, v3;
	v4 =	vsel vm11, $0x2180, v4;
	v5 =	vsel vm11, $0x3180, v5  }
0xd: {  	v0 =	vsel vm10, $0x200, v0;
	v3 =	vsel vm10, $0x1200, v3;
	v4 =	vsel vm10, $0x2200, v4  }
0xe: {  	v5 =	vsel vm10, $0x3200, v5;
	v0 =	vsel vm9, $0x280, v0;
	v3 =	vsel vm9, $0x1280, v3  }
0xf: {  	s4 =	rddreg [dreg:$0x0];
	v4 =	vsel vm9, $0x2280, v4;
	v5 =	vsel vm9, $0x3280, v5;
	v0 =	vsel vm8, $0x300, v0  }
0x10: {  	s0 =	rddreg [dreg:$0x1];
	v3 =	vsel vm8, $0x1300, v3;
	v4 =	vsel vm8, $0x2300, v4;
	v5 =	vsel vm8, $0x3300, v5  }
0x11: {  	s5 =	rddreg [dreg:$0x2];
	v0 =	vsel vm7, $0x380, v0;
	v3 =	vsel vm7, $0x1380, v3;
	v4 =	vsel vm7, $0x2380, v4  }
0x12: {  	s1 =	rddreg [dreg:$0x3];
	s6 =	srdreg.scid;
	v5 =	vsel vm7, $0x3380, v5;
	v0 =	vsel vm6, $0x800, v0;
	v3 =	vsel vm6, $0x1800, v3  }
0x13: {  	s3 =	simm.s32 $0x0;
	s2 =	stileid.u32;
	s11 =	simm.s32 $0x100;
	v4 =	vsel vm6, $0x2800, v4;
	v5 =	vsel vm6, $0x3800, v5;
	v0 =	vsel vm5, $0x880, v0  }
0x14: {  	s12 =	simm.s32 $0x2100;
	s13 =	simm.s32 $0x4100;
	s14 =	simm.s32 $0x800;
	v3 =	vsel vm5, $0x1880, v3;
	v4 =	vsel vm5, $0x2880, v4;
	v5 =	vsel vm5, $0x3880, v5  }
0x15: {  	s15 =	simm.s32 $0x4000;
	s16 =	simm.s32 $0x0;
	s6 =	sand.u32 $0x1, s6;
	v0 =	vsel vm4, $0x900, v0;
	v3 =	vsel vm4, $0x1900, v3;
	v4 =	vsel vm4, $0x2900, v4  }
0x16: {  	[smem:$0x7FF] =	sst s3;
	s7 =	sshll.u32 s2, $0x9;
	s10 =	sshll.u32 s2, $0xC;
	v5 =	vsel vm4, $0x3900, v5;
	v2 =	vsel vm3, $0x980, v0;
	v0 =	vmul.u32 $0x80, v1  }
0x17: {  	s8 =	sshll.u32 s6, $0x8;
	_ =	strace $0x80000047;
	s6 =	ssub.s32 $0x2, s6;
	v3 =	vsel vm3, $0x1980, v3;
	v4 =	vsel vm3, $0x2980, v4;
	v5 =	vsel vm3, $0x3980, v5  }
0x18: {  	s31 =	sand.u32 $0xC000, s10;
	s10 =	simm.s32 $0x7A1400;
	s7 =	sor.u32 s8, s7;
	v1 =	vsel vm2, $0xA00, v2;
	v3 =	vsel vm2, $0x1A00, v3;
	v6 =	vsel vm2, $0x2A00, v4  }
0x19: {  	s9 =	sshrl.u32 s6, $0x1;
	s5 =	sadd.s32 s5, s31;
	s8 =	sshrl.u32 s7, $0x3;
	v5 =	vsel vm2, $0x3A00, v5;
	v1 =	vsel vm1, $0xA80, v1;
	v2 =	vor.u32 $0x800, v0  }
0x1a: {  	s6 =	ssub.s32 s6, s9;
	s7 =	sand.u32 $0x700, s7;
	s9 =	simm.s32 $0x400;
	v3 =	vsel vm1, $0x1A80, v3;
	v4 =	vor.u32 $0x1000, v0;
	v6 =	vsel vm1, $0x2A80, v6  }
0x1b: {  	s4 =	sadd.s32 s8, s4;
	s5 =	sadd.s32 s7, s5;
	s6 =	smax.u32 s6, $0x1;
	v7 =	vsel vm1, $0x3A80, v5;
	v1 =	vsel vm0, $0xB00, v1;
	v3 =	vsel vm0, $0x1B00, v3  }
0x1c: {  	s7 =	simm.s32 $0x2;
	s8 =	simm.s32 $0x1;
	s4 =	sadd.s32 $0x400, s4;
	v5 =	vsel vm0, $0x2B00, v6;
	v6 =	vor.u32 $0x1800, v0;
	v7 =	vsel vm0, $0x3B00, v7  }
.LBB2_1:
0x1d: {  	[tilespmem:s3], [sflag:$0x2] =	stream.linear.gather [hbm4b:s4+s3], $0x100, $0x38;
	[tilespmem:$0x8100] =	vst v63  }
0x1e: {  	_ =	swait.ge [sflag:s7], $0x100  }
0x1f: {  	[sflag:s7] =	ssyncset.done $0x0  }
0x20: {  	s17 =	simm.s32 $0xF;
	s18 =	simm.s32 $0x0;
	[sflag:s7] =	ssyncadd.s32 $0xFFFFFF00  }
.LBB2_2:
0x21: {  	v8 =	vld [tilespmem:s18+$0x0];
	_ =	sdelay $0x4  }
0x22: {  	(v2sf) =	vpush v8, $0x0;
	_ =	sdelay $0xe  }
0x23: {  	s19 =	spop (v2sf)  }
0x24: {  	s20 =	sshra.s32 s19, $0x1F  }
0x25: {  	s20 =	sshrl.u32 s20, $0x19  }
0x26: {  	s20 =	sadd.s32 s20, s19  }
0x27: {  	s21 =	sand.u32 $0xFFFFFF80, s20  }
0x28: {  	p0 =	slt.s32 s19, $0x1;
	p1 =	sne.s32 s19, s21  }
0x29: {  	p0 =	por !p0, !p1  }
0x2a: {  	s21 =	simm.s32 $0x1;
	p0 =	por !p0, !p0  }
0x2b: {  	s20 =	sshrl.u32 s20, $0x7;
	s21 =	simm.s32 @!p0 $0x0  }
0x2c: {  	s20 =	ssub.s32 s20, s21  }
0x2d: {  	s20 =	sshll.u32 s20, $0x7  }
0x2e: {  	s20 =	sand.u32 $0x1FFFFF80, s20  }
0x2f: {  	s20 =	sadd.s32 s0, s20  }
0x30: {  	[tilespmem:s11], [sflag:$0x1] =	stream.strided.gather [hbm4b:s20+s9], $0x2000, s10, s9, $0x38;
	[tilespmem:$0x8100] =	vst v63  }
0x31: {  	_ =	swait.ge [sflag:s8], $0x2000  }
0x32: {  	(v2sf) =	vpush v8, $0x1;
	_ =	sdelay $0xe  }
0x33: {  	s29 =	spop (v2sf)  }
0x34: {  	s30 =	sshra.s32 s29, $0x1F  }
0x35: {  	s21 =	sshrl.u32 s30, $0x19  }
0x36: {  	s21 =	sadd.s32 s21, s29  }
0x37: {  	s22 =	sand.u32 $0xFFFFFF80, s21  }
0x38: {  	p1 =	slt.s32 s29, $0x1;
	p2 =	sne.s32 s29, s22  }
0x39: {  	p0 =	por !p1, !p2  }
0x3a: {  	s22 =	simm.s32 $0x1;
	p0 =	por !p0, !p0  }
0x3b: {  	s19 =	sand.u32 $0x7F, s19;
	s21 =	sshrl.u32 s21, $0x7;
	s22 =	simm.s32 @!p0 $0x0  }
0x3c: {  	s23 =	sadd.s32 $0xFFFFFFF1, s17;
	v9 =	vor.u32 s19, v0;
	s21 =	ssub.s32 s21, s22  }
0x3d: {  	v10 =	vmov s23;
	s21 =	sshll.u32 s21, $0x7  }
0x3e: {  	v11 =	vshll.u32 v10, $0x3;
	[sflag:s8] =	ssyncset.done $0x0;
	s21 =	sand.u32 $0x1FFFFF80, s21  }
0x3f: {  	v10 =	vand.u32 $0x70, v10;
	v11 =	vand.u32 $0x400, v11;
	[sflag:s8] =	ssyncadd.s32 $0xFFFFE000;
	s21 =	sadd.s32 s0, s21  }
0x40: {  	v10 =	vor.u32 v10, v11;
	[tilespmem:s12], [sflag:$0x1] =	stream.strided.gather [hbm4b:s21+s9], $0x2000, s10, s9, $0x38;
	[tilespmem:$0x8100] =	vst v63  }
0x41: {  	v11 =	vor.u32 v1, v10;
	v9 =	vld.idx.msk [tilespmem:v9+s11+$0x0], $0xffff  }
0x42: {  	v12 =	vor.u32 s19, v2;
	_ =	sdelay $0x3  }
0x43: {  	[tilespmem:v11+s13+$0x0] =	vst.idx.msk $0xffff, v9  }
0x44: {  	v36 =	vor.u32 v3, v10;
	v9 =	vld.idx.msk [tilespmem:v12+s11+$0x0], $0xffff  }
0x45: {  	v37 =	vor.u32 s19, v4;
	_ =	sdelay $0x3  }
0x46: {  	[tilespmem:v36+s13+$0x0] =	vst.idx.msk $0xffff, v9  }
0x47: {  	v38 =	vor.u32 v5, v10;
	v9 =	vld.idx.msk [tilespmem:v37+s11+$0x0], $0xffff  }
0x48: {  	v39 =	vor.u32 s19, v6;
	_ =	sdelay $0x3  }
0x49: {  	[tilespmem:v38+s13+$0x0] =	vst.idx.msk $0xffff, v9  }
0x4a: {  	v10 =	vor.u32 v7, v10;
	v9 =	vld.idx.msk [tilespmem:v39+s11+$0x0], $0xffff;
	_ =	sdelay $0x4  }
0x4b: {  	[tilespmem:v10+s13+$0x0] =	vst.idx.msk $0xffff, v9  }
0x4c: {  	_ =	swait.ge [sflag:s8], $0x2000  }
0x4d: {  	(v2sf) =	vpush v8, $0x2;
	_ =	sdelay $0xe  }
0x4e: {  	s31 =	spop (v2sf)  }
0x4f: {  	s23 =	sshra.s32 s31, $0x1F  }
0x50: {  	s21 =	sshrl.u32 s23, $0x19  }
0x51: {  	s21 =	sadd.s32 s21, s31  }
0x52: {  	s24 =	sand.u32 $0xFFFFFF80, s21  }
0x53: {  	p3 =	slt.s32 s31, $0x1;
	p4 =	sne.s32 s31, s24  }
0x54: {  	p0 =	por !p3, !p4  }
0x55: {  	s22 =	simm.s32 $0x1;
	p0 =	por !p0, !p0  }
0x56: {  	s20 =	sand.u32 $0x7F, s29;
	s21 =	sshrl.u32 s21, $0x7;
	s22 =	simm.s32 @!p0 $0x0  }
0x57: {  	s25 =	sadd.s32 $0xFFFFFFF2, s17;
	v40 =	vor.u32 s20, v0;
	s21 =	ssub.s32 s21, s22  }
0x58: {  	v41 =	vmov s25;
	s21 =	sshll.u32 s21, $0x7  }
0x59: {  	v42 =	vshll.u32 v41, $0x3;
	[sflag:s8] =	ssyncset.done $0x0;
	s21 =	sand.u32 $0x1FFFFF80, s21  }
0x5a: {  	v11 =	vand.u32 $0x400, v42;
	v10 =	vand.u32 $0x71, v41;
	[sflag:s8] =	ssyncadd.s32 $0xFFFFE000;
	s21 =	sadd.s32 s0, s21  }
0x5b: {  	v10 =	vor.u32 v10, v11;
	[tilespmem:s11], [sflag:$0x1] =	stream.strided.gather [hbm4b:s21+s9], $0x2000, s10, s9, $0x38;
	[tilespmem:$0x8100] =	vst v63  }
0x5c: {  	v11 =	vor.u32 v1, v10;
	v9 =	vld.idx.msk [tilespmem:v40+s12+$0x0], $0xffff  }
0x5d: {  	v43 =	vor.u32 s20, v2;
	_ =	sdelay $0x3  }
0x5e: {  	[tilespmem:v11+s13+$0x0] =	vst.idx.msk $0xffff, v9  }
0x5f: {  	v44 =	vor.u32 v3, v10;
	v9 =	vld.idx.msk [tilespmem:v43+s12+$0x0], $0xffff  }
0x60: {  	v45 =	vor.u32 s20, v4;
	_ =	sdelay $0x3  }
0x61: {  	[tilespmem:v44+s13+$0x0] =	vst.idx.msk $0xffff, v9  }
0x62: {  	v46 =	vor.u32 v5, v10;
	v9 =	vld.idx.msk [tilespmem:v45+s12+$0x0], $0xffff  }
0x63: {  	v47 =	vor.u32 s20, v6;
	_ =	sdelay $0x3  }
0x64: {  	[tilespmem:v46+s13+$0x0] =	vst.idx.msk $0xffff, v9  }
0x65: {  	v10 =	vor.u32 v7, v10;
	v9 =	vld.idx.msk [tilespmem:v47+s12+$0x0], $0xffff;
	_ =	sdelay $0x4  }
0x66: {  	[tilespmem:v10+s13+$0x0] =	vst.idx.msk $0xffff, v9  }
0x67: {  	_ =	swait.ge [sflag:s8], $0x2000  }
0x68: {  	(v2sf) =	vpush v8, $0x3;
	_ =	sdelay $0xe  }
0x69: {  	s26 =	spop (v2sf)  }
0x6a: {  	s28 =	sshra.s32 s26, $0x1F  }
0x6b: {  	s21 =	sshrl.u32 s28, $0x19  }
0x6c: {  	s21 =	sadd.s32 s21, s26  }
0x6d: {  	s29 =	sand.u32 $0xFFFFFF80, s21  }
0x6e: {  	p5 =	slt.s32 s26, $0x1;
	p6 =	sne.s32 s26, s29  }
0x6f: {  	p0 =	por !p5, !p6  }
0x70: {  	s22 =	simm.s32 $0x1;
	p0 =	por !p0, !p0  }
0x71: {  	s19 =	sand.u32 $0x7F, s31;
	s21 =	sshrl.u32 s21, $0x7;
	s22 =	simm.s32 @!p0 $0x0  }
0x72: {  	s30 =	sadd.s32 $0xFFFFFFF3, s17;
	v48 =	vor.u32 s19, v0;
	s21 =	ssub.s32 s21, s22  }
0x73: {  	v49 =	vmov s30;
	s21 =	sshll.u32 s21, $0x7  }
0x74: {  	v50 =	vshll.u32 v49, $0x3;
	[sflag:s8] =	ssyncset.done $0x0;
	s21 =	sand.u32 $0x1FFFFF80, s21  }
0x75: {  	v11 =	vand.u32 $0x400, v50;
	v10 =	vand.u32 $0x72, v49;
	[sflag:s8] =	ssyncadd.s32 $0xFFFFE000;
	s21 =	sadd.s32 s0, s21  }
0x76: {  	v10 =	vor.u32 v10, v11;
	[tilespmem:s12], [sflag:$0x1] =	stream.strided.gather [hbm4b:s21+s9], $0x2000, s10, s9, $0x38;
	[tilespmem:$0x8100] =	vst v63  }
0x77: {  	v11 =	vor.u32 v1, v10;
	v9 =	vld.idx.msk [tilespmem:v48+s11+$0x0], $0xffff  }
0x78: {  	v51 =	vor.u32 s19, v2;
	_ =	sdelay $0x3  }
0x79: {  	[tilespmem:v11+s13+$0x0] =	vst.idx.msk $0xffff, v9  }
0x7a: {  	v52 =	vor.u32 v3, v10;
	v9 =	vld.idx.msk [tilespmem:v51+s11+$0x0], $0xffff  }
0x7b: {  	v53 =	vor.u32 s19, v4;
	_ =	sdelay $0x3  }
0x7c: {  	[tilespmem:v52+s13+$0x0] =	vst.idx.msk $0xffff, v9  }
0x7d: {  	v54 =	vor.u32 v5, v10;
	v9 =	vld.idx.msk [tilespmem:v53+s11+$0x0], $0xffff  }
0x7e: {  	v55 =	vor.u32 s19, v6;
	_ =	sdelay $0x3  }
0x7f: {  	[tilespmem:v54+s13+$0x0] =	vst.idx.msk $0xffff, v9  }
0x80: {  	v10 =	vor.u32 v7, v10;
	v9 =	vld.idx.msk [tilespmem:v55+s11+$0x0], $0xffff;
	_ =	sdelay $0x4  }
0x81: {  	[tilespmem:v10+s13+$0x0] =	vst.idx.msk $0xffff, v9  }
0x82: {  	_ =	swait.ge [sflag:s8], $0x2000  }
0x83: {  	(v2sf) =	vpush v8, $0x4;
	_ =	sdelay $0xe  }
0x84: {  	s31 =	spop (v2sf)  }
0x85: {  	s23 =	sshra.s32 s31, $0x1F  }
0x86: {  	s21 =	sshrl.u32 s23, $0x19  }
0x87: {  	s21 =	sadd.s32 s21, s31  }
0x88: {  	s24 =	sand.u32 $0xFFFFFF80, s21  }
0x89: {  	p1 =	slt.s32 s31, $0x1;
	p2 =	sne.s32 s31, s24  }
0x8a: {  	p0 =	por !p1, !p2  }
0x8b: {  	s22 =	simm.s32 $0x1;
	p0 =	por !p0, !p0  }
0x8c: {  	s20 =	sand.u32 $0x7F, s26;
	s21 =	sshrl.u32 s21, $0x7;
	s22 =	simm.s32 @!p0 $0x0  }
0x8d: {  	s25 =	sadd.s32 $0xFFFFFFF4, s17;
	v56 =	vor.u32 s20, v0;
	s21 =	ssub.s32 s21, s22  }
0x8e: {  	v57 =	vmov s25;
	s21 =	sshll.u32 s21, $0x7  }
0x8f: {  	v58 =	vshll.u32 v57, $0x3;
	[sflag:s8] =	ssyncset.done $0x0;
	s21 =	sand.u32 $0x1FFFFF80, s21  }
0x90: {  	v11 =	vand.u32 $0x400, v58;
	v10 =	vand.u32 $0x73, v57;
	[sflag:s8] =	ssyncadd.s32 $0xFFFFE000;
	s21 =	sadd.s32 s0, s21  }
0x91: {  	v10 =	vor.u32 v10, v11;
	[tilespmem:s11], [sflag:$0x1] =	stream.strided.gather [hbm4b:s21+s9], $0x2000, s10, s9, $0x38;
	[tilespmem:$0x8100] =	vst v63  }
0x92: {  	v11 =	vor.u32 v1, v10;
	v9 =	vld.idx.msk [tilespmem:v56+s12+$0x0], $0xffff  }
0x93: {  	v59 =	vor.u32 s20, v2;
	_ =	sdelay $0x3  }
0x94: {  	[tilespmem:v11+s13+$0x0] =	vst.idx.msk $0xffff, v9  }
0x95: {  	v60 =	vor.u32 v3, v10;
	v9 =	vld.idx.msk [tilespmem:v59+s12+$0x0], $0xffff  }
0x96: {  	v61 =	vor.u32 s20, v4;
	_ =	sdelay $0x3  }
0x97: {  	[tilespmem:v60+s13+$0x0] =	vst.idx.msk $0xffff, v9  }
0x98: {  	v62 =	vor.u32 v5, v10;
	v9 =	vld.idx.msk [tilespmem:v61+s12+$0x0], $0xffff  }
0x99: {  	v63 =	vor.u32 s20, v6;
	_ =	sdelay $0x3  }
0x9a: {  	[tilespmem:v62+s13+$0x0] =	vst.idx.msk $0xffff, v9  }
0x9b: {  	v10 =	vor.u32 v7, v10;
	v9 =	vld.idx.msk [tilespmem:v63+s12+$0x0], $0xffff;
	_ =	sdelay $0x4  }
0x9c: {  	[tilespmem:v10+s13+$0x0] =	vst.idx.msk $0xffff, v9  }
0x9d: {  	_ =	swait.ge [sflag:s8], $0x2000  }
0x9e: {  	(v2sf) =	vpush v8, $0x5;
	_ =	sdelay $0xe  }
0x9f: {  	s26 =	spop (v2sf)  }
0xa0: {  	s28 =	sshra.s32 s26, $0x1F  }
0xa1: {  	s21 =	sshrl.u32 s28, $0x19  }
0xa2: {  	s21 =	sadd.s32 s21, s26  }
0xa3: {  	s29 =	sand.u32 $0xFFFFFF80, s21  }
0xa4: {  	p3 =	slt.s32 s26, $0x1;
	p4 =	sne.s32 s26, s29  }
0xa5: {  	p0 =	por !p3, !p4  }
0xa6: {  	s22 =	simm.s32 $0x1;
	p0 =	por !p0, !p0  }
0xa7: {  	s19 =	sand.u32 $0x7F, s31;
	s21 =	sshrl.u32 s21, $0x7;
	s22 =	simm.s32 @!p0 $0x0  }
0xa8: {  	s30 =	sadd.s32 $0xFFFFFFF5, s17;
	v16 =	vor.u32 s19, v0;
	s21 =	ssub.s32 s21, s22  }
0xa9: {  	v17 =	vmov s30;
	s21 =	sshll.u32 s21, $0x7  }
0xaa: {  	v18 =	vshll.u32 v17, $0x3;
	[sflag:s8] =	ssyncset.done $0x0;
	s21 =	sand.u32 $0x1FFFFF80, s21  }
0xab: {  	v11 =	vand.u32 $0x400, v18;
	v10 =	vand.u32 $0x74, v17;
	[sflag:s8] =	ssyncadd.s32 $0xFFFFE000;
	s21 =	sadd.s32 s0, s21  }
0xac: {  	v10 =	vor.u32 v10, v11;
	[tilespmem:s12], [sflag:$0x1] =	stream.strided.gather [hbm4b:s21+s9], $0x2000, s10, s9, $0x38;
	[tilespmem:$0x8100] =	vst v63  }
0xad: {  	v11 =	vor.u32 v1, v10;
	v9 =	vld.idx.msk [tilespmem:v16+s11+$0x0], $0xffff  }
0xae: {  	v19 =	vor.u32 s19, v2;
	_ =	sdelay $0x3  }
0xaf: {  	[tilespmem:v11+s13+$0x0] =	vst.idx.msk $0xffff, v9  }
0xb0: {  	v20 =	vor.u32 v3, v10;
	v9 =	vld.idx.msk [tilespmem:v19+s11+$0x0], $0xffff  }
0xb1: {  	v21 =	vor.u32 s19, v4;
	_ =	sdelay $0x3  }
0xb2: {  	[tilespmem:v20+s13+$0x0] =	vst.idx.msk $0xffff, v9  }
0xb3: {  	v22 =	vor.u32 v5, v10;
	v9 =	vld.idx.msk [tilespmem:v21+s11+$0x0], $0xffff  }
0xb4: {  	v23 =	vor.u32 s19, v6;
	_ =	sdelay $0x3  }
0xb5: {  	[tilespmem:v22+s13+$0x0] =	vst.idx.msk $0xffff, v9  }
0xb6: {  	v10 =	vor.u32 v7, v10;
	v9 =	vld.idx.msk [tilespmem:v23+s11+$0x0], $0xffff;
	_ =	sdelay $0x4  }
0xb7: {  	[tilespmem:v10+s13+$0x0] =	vst.idx.msk $0xffff, v9  }
0xb8: {  	_ =	swait.ge [sflag:s8], $0x2000  }
0xb9: {  	(v2sf) =	vpush v8, $0x6;
	_ =	sdelay $0xe  }
0xba: {  	s31 =	spop (v2sf)  }
0xbb: {  	s23 =	sshra.s32 s31, $0x1F  }
0xbc: {  	s21 =	sshrl.u32 s23, $0x19  }
0xbd: {  	s21 =	sadd.s32 s21, s31  }
0xbe: {  	s24 =	sand.u32 $0xFFFFFF80, s21  }
0xbf: {  	p5 =	slt.s32 s31, $0x1;
	p6 =	sne.s32 s31, s24  }
0xc0: {  	p0 =	por !p5, !p6  }
0xc1: {  	s22 =	simm.s32 $0x1;
	p0 =	por !p0, !p0  }
0xc2: {  	s20 =	sand.u32 $0x7F, s26;
	s21 =	sshrl.u32 s21, $0x7;
	s22 =	simm.s32 @!p0 $0x0  }
0xc3: {  	s25 =	sadd.s32 $0xFFFFFFF6, s17;
	v24 =	vor.u32 s20, v0;
	s21 =	ssub.s32 s21, s22  }
0xc4: {  	v25 =	vmov s25;
	s21 =	sshll.u32 s21, $0x7  }
0xc5: {  	v26 =	vshll.u32 v25, $0x3;
	[sflag:s8] =	ssyncset.done $0x0;
	s21 =	sand.u32 $0x1FFFFF80, s21  }
0xc6: {  	v11 =	vand.u32 $0x400, v26;
	v10 =	vand.u32 $0x75, v25;
	[sflag:s8] =	ssyncadd.s32 $0xFFFFE000;
	s21 =	sadd.s32 s0, s21  }
0xc7: {  	v10 =	vor.u32 v10, v11;
	[tilespmem:s11], [sflag:$0x1] =	stream.strided.gather [hbm4b:s21+s9], $0x2000, s10, s9, $0x38;
	[tilespmem:$0x8100] =	vst v63  }
0xc8: {  	v11 =	vor.u32 v1, v10;
	v9 =	vld.idx.msk [tilespmem:v24+s12+$0x0], $0xffff  }
0xc9: {  	v27 =	vor.u32 s20, v2;
	_ =	sdelay $0x3  }
0xca: {  	[tilespmem:v11+s13+$0x0] =	vst.idx.msk $0xffff, v9  }
0xcb: {  	v28 =	vor.u32 v3, v10;
	v9 =	vld.idx.msk [tilespmem:v27+s12+$0x0], $0xffff  }
0xcc: {  	v29 =	vor.u32 s20, v4;
	_ =	sdelay $0x3  }
0xcd: {  	[tilespmem:v28+s13+$0x0] =	vst.idx.msk $0xffff, v9  }
0xce: {  	v30 =	vor.u32 v5, v10;
	v9 =	vld.idx.msk [tilespmem:v29+s12+$0x0], $0xffff  }
0xcf: {  	v31 =	vor.u32 s20, v6;
	_ =	sdelay $0x3  }
0xd0: {  	[tilespmem:v30+s13+$0x0] =	vst.idx.msk $0xffff, v9  }
0xd1: {  	v10 =	vor.u32 v7, v10;
	v9 =	vld.idx.msk [tilespmem:v31+s12+$0x0], $0xffff;
	_ =	sdelay $0x4  }
0xd2: {  	[tilespmem:v10+s13+$0x0] =	vst.idx.msk $0xffff, v9  }
0xd3: {  	_ =	swait.ge [sflag:s8], $0x2000  }
0xd4: {  	(v2sf) =	vpush v8, $0x7;
	_ =	sdelay $0xe  }
0xd5: {  	s26 =	spop (v2sf)  }
0xd6: {  	s28 =	sshra.s32 s26, $0x1F  }
0xd7: {  	s21 =	sshrl.u32 s28, $0x19  }
0xd8: {  	s21 =	sadd.s32 s21, s26  }
0xd9: {  	s29 =	sand.u32 $0xFFFFFF80, s21  }
0xda: {  	p1 =	slt.s32 s26, $0x1;
	p2 =	sne.s32 s26, s29  }
0xdb: {  	p0 =	por !p1, !p2  }
0xdc: {  	s22 =	simm.s32 $0x1;
	p0 =	por !p0, !p0  }
0xdd: {  	s19 =	sand.u32 $0x7F, s31;
	s21 =	sshrl.u32 s21, $0x7;
	s22 =	simm.s32 @!p0 $0x0  }
0xde: {  	s30 =	sadd.s32 $0xFFFFFFF7, s17;
	v32 =	vor.u32 s19, v0;
	s21 =	ssub.s32 s21, s22  }
0xdf: {  	v33 =	vmov s30;
	s21 =	sshll.u32 s21, $0x7  }
0xe0: {  	v34 =	vshll.u32 v33, $0x3;
	[sflag:s8] =	ssyncset.done $0x0;
	s21 =	sand.u32 $0x1FFFFF80, s21  }
0xe1: {  	v11 =	vand.u32 $0x400, v34;
	v10 =	vand.u32 $0x76, v33;
	[sflag:s8] =	ssyncadd.s32 $0xFFFFE000;
	s21 =	sadd.s32 s0, s21  }
0xe2: {  	v10 =	vor.u32 v10, v11;
	[tilespmem:s12], [sflag:$0x1] =	stream.strided.gather [hbm4b:s21+s9], $0x2000, s10, s9, $0x38;
	[tilespmem:$0x8100] =	vst v63  }
0xe3: {  	v11 =	vor.u32 v1, v10;
	v9 =	vld.idx.msk [tilespmem:v32+s11+$0x0], $0xffff  }
0xe4: {  	v35 =	vor.u32 s19, v2;
	_ =	sdelay $0x3  }
0xe5: {  	[tilespmem:v11+s13+$0x0] =	vst.idx.msk $0xffff, v9  }
0xe6: {  	v36 =	vor.u32 v3, v10;
	v9 =	vld.idx.msk [tilespmem:v35+s11+$0x0], $0xffff  }
0xe7: {  	v37 =	vor.u32 s19, v4;
	_ =	sdelay $0x3  }
0xe8: {  	[tilespmem:v36+s13+$0x0] =	vst.idx.msk $0xffff, v9  }
0xe9: {  	v38 =	vor.u32 v5, v10;
	v9 =	vld.idx.msk [tilespmem:v37+s11+$0x0], $0xffff  }
0xea: {  	v39 =	vor.u32 s19, v6;
	_ =	sdelay $0x3  }
0xeb: {  	[tilespmem:v38+s13+$0x0] =	vst.idx.msk $0xffff, v9  }
0xec: {  	v10 =	vor.u32 v7, v10;
	v9 =	vld.idx.msk [tilespmem:v39+s11+$0x0], $0xffff;
	_ =	sdelay $0x4  }
0xed: {  	[tilespmem:v10+s13+$0x0] =	vst.idx.msk $0xffff, v9  }
0xee: {  	_ =	swait.ge [sflag:s8], $0x2000  }
0xef: {  	(v2sf) =	vpush v8, $0x8;
	_ =	sdelay $0xe  }
0xf0: {  	s31 =	spop (v2sf)  }
0xf1: {  	s23 =	sshra.s32 s31, $0x1F  }
0xf2: {  	s21 =	sshrl.u32 s23, $0x19  }
0xf3: {  	s21 =	sadd.s32 s21, s31  }
0xf4: {  	s24 =	sand.u32 $0xFFFFFF80, s21  }
0xf5: {  	p3 =	slt.s32 s31, $0x1;
	p4 =	sne.s32 s31, s24  }
0xf6: {  	p0 =	por !p3, !p4  }
0xf7: {  	s22 =	simm.s32 $0x1;
	p0 =	por !p0, !p0  }
0xf8: {  	s20 =	sand.u32 $0x7F, s26;
	s21 =	sshrl.u32 s21, $0x7;
	s22 =	simm.s32 @!p0 $0x0  }
0xf9: {  	s25 =	sadd.s32 $0xFFFFFFF8, s17;
	v40 =	vor.u32 s20, v0;
	s21 =	ssub.s32 s21, s22  }
0xfa: {  	v41 =	vmov s25;
	s21 =	sshll.u32 s21, $0x7  }
0xfb: {  	v42 =	vshll.u32 v41, $0x3;
	[sflag:s8] =	ssyncset.done $0x0;
	s21 =	sand.u32 $0x1FFFFF80, s21  }
0xfc: {  	v11 =	vand.u32 $0x400, v42;
	v10 =	vand.u32 $0x77, v41;
	[sflag:s8] =	ssyncadd.s32 $0xFFFFE000;
	s21 =	sadd.s32 s0, s21  }
0xfd: {  	v10 =	vor.u32 v10, v11;
	[tilespmem:s11], [sflag:$0x1] =	stream.strided.gather [hbm4b:s21+s9], $0x2000, s10, s9, $0x38;
	[tilespmem:$0x8100] =	vst v63  }
0xfe: {  	v11 =	vor.u32 v1, v10;
	v9 =	vld.idx.msk [tilespmem:v40+s12+$0x0], $0xffff  }
0xff: {  	v43 =	vor.u32 s20, v2;
	_ =	sdelay $0x3  }
0x100: {  	[tilespmem:v11+s13+$0x0] =	vst.idx.msk $0xffff, v9  }
0x101: {  	v44 =	vor.u32 v3, v10;
	v9 =	vld.idx.msk [tilespmem:v43+s12+$0x0], $0xffff  }
0x102: {  	v45 =	vor.u32 s20, v4;
	_ =	sdelay $0x3  }
0x103: {  	[tilespmem:v44+s13+$0x0] =	vst.idx.msk $0xffff, v9  }
0x104: {  	v46 =	vor.u32 v5, v10;
	v9 =	vld.idx.msk [tilespmem:v45+s12+$0x0], $0xffff  }
0x105: {  	v47 =	vor.u32 s20, v6;
	_ =	sdelay $0x3  }
0x106: {  	[tilespmem:v46+s13+$0x0] =	vst.idx.msk $0xffff, v9  }
0x107: {  	v10 =	vor.u32 v7, v10;
	v9 =	vld.idx.msk [tilespmem:v47+s12+$0x0], $0xffff;
	_ =	sdelay $0x4  }
0x108: {  	[tilespmem:v10+s13+$0x0] =	vst.idx.msk $0xffff, v9  }
0x109: {  	_ =	swait.ge [sflag:s8], $0x2000  }
0x10a: {  	(v2sf) =	vpush v8, $0x9;
	_ =	sdelay $0xe  }
0x10b: {  	s26 =	spop (v2sf)  }
0x10c: {  	s28 =	sshra.s32 s26, $0x1F  }
0x10d: {  	s21 =	sshrl.u32 s28, $0x19  }
0x10e: {  	s21 =	sadd.s32 s21, s26  }
0x10f: {  	s29 =	sand.u32 $0xFFFFFF80, s21  }
0x110: {  	p5 =	slt.s32 s26, $0x1;
	p6 =	sne.s32 s26, s29  }
0x111: {  	p0 =	por !p5, !p6  }
0x112: {  	s22 =	simm.s32 $0x1;
	p0 =	por !p0, !p0  }
0x113: {  	s19 =	sand.u32 $0x7F, s31;
	s21 =	sshrl.u32 s21, $0x7;
	s22 =	simm.s32 @!p0 $0x0  }
0x114: {  	s30 =	sadd.s32 $0xFFFFFFF9, s17;
	v48 =	vor.u32 s19, v0;
	s21 =	ssub.s32 s21, s22  }
0x115: {  	v49 =	vmov s30;
	s21 =	sshll.u32 s21, $0x7  }
0x116: {  	v50 =	vshll.u32 v49, $0x3;
	[sflag:s8] =	ssyncset.done $0x0;
	s21 =	sand.u32 $0x1FFFFF80, s21  }
0x117: {  	v11 =	vand.u32 $0x400, v50;
	v10 =	vand.u32 $0x78, v49;
	[sflag:s8] =	ssyncadd.s32 $0xFFFFE000;
	s21 =	sadd.s32 s0, s21  }
0x118: {  	v10 =	vor.u32 v10, v11;
	[tilespmem:s12], [sflag:$0x1] =	stream.strided.gather [hbm4b:s21+s9], $0x2000, s10, s9, $0x38;
	[tilespmem:$0x8100] =	vst v63  }
0x119: {  	v11 =	vor.u32 v1, v10;
	v9 =	vld.idx.msk [tilespmem:v48+s11+$0x0], $0xffff  }
0x11a: {  	v51 =	vor.u32 s19, v2;
	_ =	sdelay $0x3  }
0x11b: {  	[tilespmem:v11+s13+$0x0] =	vst.idx.msk $0xffff, v9  }
0x11c: {  	v52 =	vor.u32 v3, v10;
	v9 =	vld.idx.msk [tilespmem:v51+s11+$0x0], $0xffff  }
0x11d: {  	v53 =	vor.u32 s19, v4;
	_ =	sdelay $0x3  }
0x11e: {  	[tilespmem:v52+s13+$0x0] =	vst.idx.msk $0xffff, v9  }
0x11f: {  	v54 =	vor.u32 v5, v10;
	v9 =	vld.idx.msk [tilespmem:v53+s11+$0x0], $0xffff  }
0x120: {  	v55 =	vor.u32 s19, v6;
	_ =	sdelay $0x3  }
0x121: {  	[tilespmem:v54+s13+$0x0] =	vst.idx.msk $0xffff, v9  }
0x122: {  	v10 =	vor.u32 v7, v10;
	v9 =	vld.idx.msk [tilespmem:v55+s11+$0x0], $0xffff;
	_ =	sdelay $0x4  }
0x123: {  	[tilespmem:v10+s13+$0x0] =	vst.idx.msk $0xffff, v9  }
0x124: {  	_ =	swait.ge [sflag:s8], $0x2000  }
0x125: {  	(v2sf) =	vpush v8, $0xA;
	_ =	sdelay $0xe  }
0x126: {  	s31 =	spop (v2sf)  }
0x127: {  	s23 =	sshra.s32 s31, $0x1F  }
0x128: {  	s21 =	sshrl.u32 s23, $0x19  }
0x129: {  	s21 =	sadd.s32 s21, s31  }
0x12a: {  	s24 =	sand.u32 $0xFFFFFF80, s21  }
0x12b: {  	p1 =	slt.s32 s31, $0x1;
	p2 =	sne.s32 s31, s24  }
0x12c: {  	p0 =	por !p1, !p2  }
0x12d: {  	s22 =	simm.s32 $0x1;
	p0 =	por !p0, !p0  }
0x12e: {  	s20 =	sand.u32 $0x7F, s26;
	s21 =	sshrl.u32 s21, $0x7;
	s22 =	simm.s32 @!p0 $0x0  }
0x12f: {  	s25 =	sadd.s32 $0xFFFFFFFA, s17;
	v56 =	vor.u32 s20, v0;
	s21 =	ssub.s32 s21, s22  }
0x130: {  	v57 =	vmov s25;
	s21 =	sshll.u32 s21, $0x7  }
0x131: {  	v58 =	vshll.u32 v57, $0x3;
	[sflag:s8] =	ssyncset.done $0x0;
	s21 =	sand.u32 $0x1FFFFF80, s21  }
0x132: {  	v11 =	vand.u32 $0x400, v58;
	v10 =	vand.u32 $0x79, v57;
	[sflag:s8] =	ssyncadd.s32 $0xFFFFE000;
	s21 =	sadd.s32 s0, s21  }
0x133: {  	v10 =	vor.u32 v10, v11;
	[tilespmem:s11], [sflag:$0x1] =	stream.strided.gather [hbm4b:s21+s9], $0x2000, s10, s9, $0x38;
	[tilespmem:$0x8100] =	vst v63  }
0x134: {  	v11 =	vor.u32 v1, v10;
	v9 =	vld.idx.msk [tilespmem:v56+s12+$0x0], $0xffff  }
0x135: {  	v59 =	vor.u32 s20, v2;
	_ =	sdelay $0x3  }
0x136: {  	[tilespmem:v11+s13+$0x0] =	vst.idx.msk $0xffff, v9  }
0x137: {  	v60 =	vor.u32 v3, v10;
	v9 =	vld.idx.msk [tilespmem:v59+s12+$0x0], $0xffff  }
0x138: {  	v61 =	vor.u32 s20, v4;
	_ =	sdelay $0x3  }
0x139: {  	[tilespmem:v60+s13+$0x0] =	vst.idx.msk $0xffff, v9  }
0x13a: {  	v62 =	vor.u32 v5, v10;
	v9 =	vld.idx.msk [tilespmem:v61+s12+$0x0], $0xffff  }
0x13b: {  	v63 =	vor.u32 s20, v6;
	_ =	sdelay $0x3  }
0x13c: {  	[tilespmem:v62+s13+$0x0] =	vst.idx.msk $0xffff, v9  }
0x13d: {  	v10 =	vor.u32 v7, v10;
	v9 =	vld.idx.msk [tilespmem:v63+s12+$0x0], $0xffff;
	_ =	sdelay $0x4  }
0x13e: {  	[tilespmem:v10+s13+$0x0] =	vst.idx.msk $0xffff, v9  }
0x13f: {  	_ =	swait.ge [sflag:s8], $0x2000  }
0x140: {  	(v2sf) =	vpush v8, $0xB;
	_ =	sdelay $0xe  }
0x141: {  	s26 =	spop (v2sf)  }
0x142: {  	s28 =	sshra.s32 s26, $0x1F  }
0x143: {  	s21 =	sshrl.u32 s28, $0x19  }
0x144: {  	s21 =	sadd.s32 s21, s26  }
0x145: {  	s29 =	sand.u32 $0xFFFFFF80, s21  }
0x146: {  	p3 =	slt.s32 s26, $0x1;
	p4 =	sne.s32 s26, s29  }
0x147: {  	p0 =	por !p3, !p4  }
0x148: {  	s22 =	simm.s32 $0x1;
	p0 =	por !p0, !p0  }
0x149: {  	s19 =	sand.u32 $0x7F, s31;
	s21 =	sshrl.u32 s21, $0x7;
	s22 =	simm.s32 @!p0 $0x0  }
0x14a: {  	s30 =	sadd.s32 $0xFFFFFFFB, s17;
	v16 =	vor.u32 s19, v0;
	s21 =	ssub.s32 s21, s22  }
0x14b: {  	v17 =	vmov s30;
	s21 =	sshll.u32 s21, $0x7  }
0x14c: {  	v18 =	vshll.u32 v17, $0x3;
	[sflag:s8] =	ssyncset.done $0x0;
	s21 =	sand.u32 $0x1FFFFF80, s21  }
0x14d: {  	v11 =	vand.u32 $0x400, v18;
	v10 =	vand.u32 $0x7A, v17;
	[sflag:s8] =	ssyncadd.s32 $0xFFFFE000;
	s21 =	sadd.s32 s0, s21  }
0x14e: {  	v10 =	vor.u32 v10, v11;
	[tilespmem:s12], [sflag:$0x1] =	stream.strided.gather [hbm4b:s21+s9], $0x2000, s10, s9, $0x38;
	[tilespmem:$0x8100] =	vst v63  }
0x14f: {  	v11 =	vor.u32 v1, v10;
	v9 =	vld.idx.msk [tilespmem:v16+s11+$0x0], $0xffff  }
0x150: {  	v19 =	vor.u32 s19, v2;
	_ =	sdelay $0x3  }
0x151: {  	[tilespmem:v11+s13+$0x0] =	vst.idx.msk $0xffff, v9  }
0x152: {  	v20 =	vor.u32 v3, v10;
	v9 =	vld.idx.msk [tilespmem:v19+s11+$0x0], $0xffff  }
0x153: {  	v21 =	vor.u32 s19, v4;
	_ =	sdelay $0x3  }
0x154: {  	[tilespmem:v20+s13+$0x0] =	vst.idx.msk $0xffff, v9  }
0x155: {  	v22 =	vor.u32 v5, v10;
	v9 =	vld.idx.msk [tilespmem:v21+s11+$0x0], $0xffff  }
0x156: {  	v23 =	vor.u32 s19, v6;
	_ =	sdelay $0x3  }
0x157: {  	[tilespmem:v22+s13+$0x0] =	vst.idx.msk $0xffff, v9  }
0x158: {  	v10 =	vor.u32 v7, v10;
	v9 =	vld.idx.msk [tilespmem:v23+s11+$0x0], $0xffff;
	_ =	sdelay $0x4  }
0x159: {  	[tilespmem:v10+s13+$0x0] =	vst.idx.msk $0xffff, v9  }
0x15a: {  	_ =	swait.ge [sflag:s8], $0x2000  }
0x15b: {  	(v2sf) =	vpush v8, $0xC;
	_ =	sdelay $0xe  }
0x15c: {  	s31 =	spop (v2sf)  }
0x15d: {  	s23 =	sshra.s32 s31, $0x1F  }
0x15e: {  	s21 =	sshrl.u32 s23, $0x19  }
0x15f: {  	s21 =	sadd.s32 s21, s31  }
0x160: {  	s24 =	sand.u32 $0xFFFFFF80, s21  }
0x161: {  	p5 =	slt.s32 s31, $0x1;
	p6 =	sne.s32 s31, s24  }
0x162: {  	p0 =	por !p5, !p6  }
0x163: {  	s22 =	simm.s32 $0x1;
	p0 =	por !p0, !p0  }
0x164: {  	s20 =	sand.u32 $0x7F, s26;
	s21 =	sshrl.u32 s21, $0x7;
	s22 =	simm.s32 @!p0 $0x0  }
0x165: {  	s25 =	sadd.s32 $0xFFFFFFFC, s17;
	v24 =	vor.u32 s20, v0;
	s21 =	ssub.s32 s21, s22  }
0x166: {  	v25 =	vmov s25;
	s21 =	sshll.u32 s21, $0x7  }
0x167: {  	v26 =	vshll.u32 v25, $0x3;
	[sflag:s8] =	ssyncset.done $0x0;
	s21 =	sand.u32 $0x1FFFFF80, s21  }
0x168: {  	v11 =	vand.u32 $0x400, v26;
	v10 =	vand.u32 $0x7B, v25;
	[sflag:s8] =	ssyncadd.s32 $0xFFFFE000;
	s21 =	sadd.s32 s0, s21  }
0x169: {  	v10 =	vor.u32 v10, v11;
	[tilespmem:s11], [sflag:$0x1] =	stream.strided.gather [hbm4b:s21+s9], $0x2000, s10, s9, $0x38;
	[tilespmem:$0x8100] =	vst v63  }
0x16a: {  	v11 =	vor.u32 v1, v10;
	v9 =	vld.idx.msk [tilespmem:v24+s12+$0x0], $0xffff  }
0x16b: {  	v27 =	vor.u32 s20, v2;
	_ =	sdelay $0x3  }
0x16c: {  	[tilespmem:v11+s13+$0x0] =	vst.idx.msk $0xffff, v9  }
0x16d: {  	v28 =	vor.u32 v3, v10;
	v9 =	vld.idx.msk [tilespmem:v27+s12+$0x0], $0xffff  }
0x16e: {  	v29 =	vor.u32 s20, v4;
	_ =	sdelay $0x3  }
0x16f: {  	[tilespmem:v28+s13+$0x0] =	vst.idx.msk $0xffff, v9  }
0x170: {  	v30 =	vor.u32 v5, v10;
	v9 =	vld.idx.msk [tilespmem:v29+s12+$0x0], $0xffff  }
0x171: {  	v31 =	vor.u32 s20, v6;
	_ =	sdelay $0x3  }
0x172: {  	[tilespmem:v30+s13+$0x0] =	vst.idx.msk $0xffff, v9  }
0x173: {  	v10 =	vor.u32 v7, v10;
	v9 =	vld.idx.msk [tilespmem:v31+s12+$0x0], $0xffff;
	_ =	sdelay $0x4  }
0x174: {  	[tilespmem:v10+s13+$0x0] =	vst.idx.msk $0xffff, v9  }
0x175: {  	_ =	swait.ge [sflag:s8], $0x2000  }
0x176: {  	(v2sf) =	vpush v8, $0xD;
	_ =	sdelay $0xe  }
0x177: {  	s26 =	spop (v2sf)  }
0x178: {  	s28 =	sshra.s32 s26, $0x1F  }
0x179: {  	s21 =	sshrl.u32 s28, $0x19  }
0x17a: {  	s21 =	sadd.s32 s21, s26  }
0x17b: {  	s29 =	sand.u32 $0xFFFFFF80, s21  }
0x17c: {  	p1 =	slt.s32 s26, $0x1;
	p2 =	sne.s32 s26, s29  }
0x17d: {  	p0 =	por !p1, !p2  }
0x17e: {  	s22 =	simm.s32 $0x1;
	p0 =	por !p0, !p0  }
0x17f: {  	s19 =	sand.u32 $0x7F, s31;
	s21 =	sshrl.u32 s21, $0x7;
	s22 =	simm.s32 @!p0 $0x0  }
0x180: {  	s30 =	sadd.s32 $0xFFFFFFFD, s17;
	v32 =	vor.u32 s19, v0;
	s21 =	ssub.s32 s21, s22  }
0x181: {  	v33 =	vmov s30;
	s21 =	sshll.u32 s21, $0x7  }
0x182: {  	v34 =	vshll.u32 v33, $0x3;
	[sflag:s8] =	ssyncset.done $0x0;
	s21 =	sand.u32 $0x1FFFFF80, s21  }
0x183: {  	v11 =	vand.u32 $0x400, v34;
	v10 =	vand.u32 $0x7C, v33;
	[sflag:s8] =	ssyncadd.s32 $0xFFFFE000;
	s21 =	sadd.s32 s0, s21  }
0x184: {  	v10 =	vor.u32 v10, v11;
	[tilespmem:s12], [sflag:$0x1] =	stream.strided.gather [hbm4b:s21+s9], $0x2000, s10, s9, $0x38;
	[tilespmem:$0x8100] =	vst v63  }
0x185: {  	v11 =	vor.u32 v1, v10;
	v9 =	vld.idx.msk [tilespmem:v32+s11+$0x0], $0xffff  }
0x186: {  	v35 =	vor.u32 s19, v2;
	_ =	sdelay $0x3  }
0x187: {  	[tilespmem:v11+s13+$0x0] =	vst.idx.msk $0xffff, v9  }
0x188: {  	v36 =	vor.u32 v3, v10;
	v9 =	vld.idx.msk [tilespmem:v35+s11+$0x0], $0xffff  }
0x189: {  	v37 =	vor.u32 s19, v4;
	_ =	sdelay $0x3  }
0x18a: {  	[tilespmem:v36+s13+$0x0] =	vst.idx.msk $0xffff, v9  }
0x18b: {  	v38 =	vor.u32 v5, v10;
	v9 =	vld.idx.msk [tilespmem:v37+s11+$0x0], $0xffff  }
0x18c: {  	v39 =	vor.u32 s19, v6;
	_ =	sdelay $0x3  }
0x18d: {  	[tilespmem:v38+s13+$0x0] =	vst.idx.msk $0xffff, v9  }
0x18e: {  	v10 =	vor.u32 v7, v10;
	v9 =	vld.idx.msk [tilespmem:v39+s11+$0x0], $0xffff;
	_ =	sdelay $0x4  }
0x18f: {  	[tilespmem:v10+s13+$0x0] =	vst.idx.msk $0xffff, v9  }
0x190: {  	_ =	swait.ge [sflag:s8], $0x2000  }
0x191: {  	(v2sf) =	vpush v8, $0xE;
	_ =	sdelay $0xe  }
0x192: {  	s31 =	spop (v2sf)  }
0x193: {  	s23 =	sshra.s32 s31, $0x1F  }
0x194: {  	s21 =	sshrl.u32 s23, $0x19  }
0x195: {  	s21 =	sadd.s32 s21, s31  }
0x196: {  	s24 =	sand.u32 $0xFFFFFF80, s21  }
0x197: {  	p3 =	slt.s32 s31, $0x1;
	p4 =	sne.s32 s31, s24  }
0x198: {  	p0 =	por !p3, !p4  }
0x199: {  	s22 =	simm.s32 $0x1;
	p0 =	por !p0, !p0  }
0x19a: {  	s20 =	sand.u32 $0x7F, s26;
	s21 =	sshrl.u32 s21, $0x7;
	s22 =	simm.s32 @!p0 $0x0  }
0x19b: {  	s25 =	sadd.s32 $0xFFFFFFFE, s17;
	v40 =	vor.u32 s20, v0;
	s21 =	ssub.s32 s21, s22  }
0x19c: {  	v41 =	vmov s25;
	s21 =	sshll.u32 s21, $0x7  }
0x19d: {  	v42 =	vshll.u32 v41, $0x3;
	[sflag:s8] =	ssyncset.done $0x0;
	s21 =	sand.u32 $0x1FFFFF80, s21  }
0x19e: {  	v11 =	vand.u32 $0x400, v42;
	v10 =	vand.u32 $0x7D, v41;
	[sflag:s8] =	ssyncadd.s32 $0xFFFFE000;
	s21 =	sadd.s32 s0, s21  }
0x19f: {  	v10 =	vor.u32 v10, v11;
	[tilespmem:s11], [sflag:$0x1] =	stream.strided.gather [hbm4b:s21+s9], $0x2000, s10, s9, $0x38;
	[tilespmem:$0x8100] =	vst v63  }
0x1a0: {  	v11 =	vor.u32 v1, v10;
	v9 =	vld.idx.msk [tilespmem:v40+s12+$0x0], $0xffff  }
0x1a1: {  	v43 =	vor.u32 s20, v2;
	_ =	sdelay $0x3  }
0x1a2: {  	[tilespmem:v11+s13+$0x0] =	vst.idx.msk $0xffff, v9  }
0x1a3: {  	v44 =	vor.u32 v3, v10;
	v9 =	vld.idx.msk [tilespmem:v43+s12+$0x0], $0xffff  }
0x1a4: {  	v45 =	vor.u32 s20, v4;
	_ =	sdelay $0x3  }
0x1a5: {  	[tilespmem:v44+s13+$0x0] =	vst.idx.msk $0xffff, v9  }
0x1a6: {  	v46 =	vor.u32 v5, v10;
	v9 =	vld.idx.msk [tilespmem:v45+s12+$0x0], $0xffff  }
0x1a7: {  	v47 =	vor.u32 s20, v6;
	_ =	sdelay $0x3  }
0x1a8: {  	[tilespmem:v46+s13+$0x0] =	vst.idx.msk $0xffff, v9  }
0x1a9: {  	v10 =	vor.u32 v7, v10;
	v9 =	vld.idx.msk [tilespmem:v47+s12+$0x0], $0xffff;
	_ =	sdelay $0x4  }
0x1aa: {  	[tilespmem:v10+s13+$0x0] =	vst.idx.msk $0xffff, v9  }
0x1ab: {  	_ =	swait.ge [sflag:s8], $0x2000  }
0x1ac: {  	(v2sf) =	vpush v8, $0xF;
	_ =	sdelay $0xe  }
0x1ad: {  	s26 =	spop (v2sf)  }
0x1ae: {  	s28 =	sshra.s32 s26, $0x1F  }
0x1af: {  	s21 =	sshrl.u32 s28, $0x19  }
0x1b0: {  	s21 =	sadd.s32 s21, s26  }
0x1b1: {  	s29 =	sand.u32 $0xFFFFFF80, s21  }
0x1b2: {  	p5 =	slt.s32 s26, $0x1;
	p6 =	sne.s32 s26, s29  }
0x1b3: {  	p0 =	por !p5, !p6  }
0x1b4: {  	s22 =	simm.s32 $0x1;
	p0 =	por !p0, !p0  }
0x1b5: {  	s19 =	sand.u32 $0x7F, s31;
	s21 =	sshrl.u32 s21, $0x7;
	s22 =	simm.s32 @!p0 $0x0  }
0x1b6: {  	s30 =	sadd.s32 $0xFFFFFFFF, s17;
	v8 =	vor.u32 s19, v0;
	s21 =	ssub.s32 s21, s22  }
0x1b7: {  	v48 =	vmov s30;
	s21 =	sshll.u32 s21, $0x7  }
0x1b8: {  	v49 =	vshll.u32 v48, $0x3;
	[sflag:s8] =	ssyncset.done $0x0;
	s21 =	sand.u32 $0x1FFFFF80, s21  }
0x1b9: {  	v9 =	vand.u32 $0x7E, v48;
	v10 =	vand.u32 $0x400, v49;
	[sflag:s8] =	ssyncadd.s32 $0xFFFFE000;
	s21 =	sadd.s32 s0, s21  }
0x1ba: {  	v9 =	vor.u32 v9, v10;
	[tilespmem:s12], [sflag:$0x1] =	stream.strided.gather [hbm4b:s21+s9], $0x2000, s10, s9, $0x38;
	[tilespmem:$0x8100] =	vst v63  }
0x1bb: {  	v10 =	vor.u32 v1, v9;
	v8 =	vld.idx.msk [tilespmem:v8+s11+$0x0], $0xffff  }
0x1bc: {  	v50 =	vor.u32 s19, v2;
	_ =	sdelay $0x3  }
0x1bd: {  	[tilespmem:v10+s13+$0x0] =	vst.idx.msk $0xffff, v8  }
0x1be: {  	v51 =	vor.u32 v3, v9;
	v8 =	vld.idx.msk [tilespmem:v50+s11+$0x0], $0xffff  }
0x1bf: {  	v52 =	vor.u32 s19, v4;
	_ =	sdelay $0x3  }
0x1c0: {  	[tilespmem:v51+s13+$0x0] =	vst.idx.msk $0xffff, v8  }
0x1c1: {  	v53 =	vor.u32 v5, v9;
	v8 =	vld.idx.msk [tilespmem:v52+s11+$0x0], $0xffff  }
0x1c2: {  	v54 =	vor.u32 s19, v6;
	_ =	sdelay $0x3  }
0x1c3: {  	[tilespmem:v53+s13+$0x0] =	vst.idx.msk $0xffff, v8  }
0x1c4: {  	v9 =	vor.u32 v7, v9;
	v8 =	vld.idx.msk [tilespmem:v54+s11+$0x0], $0xffff;
	_ =	sdelay $0x2  }
0x1c5: {  	s31 =	sand.u32 $0x7F, s26  }
0x1c6: {  	v55 =	vor.u32 s31, v0  }
0x1c7: {  	[tilespmem:v9+s13+$0x0] =	vst.idx.msk $0xffff, v8;
	v8 =	vmov s17  }
0x1c8: {  	_ =	swait.ge [sflag:s8], $0x2000;
	v56 =	vshll.u32 v8, $0x3  }
0x1c9: {  	v8 =	vand.u32 $0x7F, v8;
	[sflag:s8] =	ssyncset.done $0x0;
	v9 =	vand.u32 $0x400, v56  }
0x1ca: {  	[sflag:s8] =	ssyncadd.s32 $0xFFFFE000;
	v8 =	vor.u32 v8, v9  }
0x1cb: {  	v57 =	vld.idx.msk [tilespmem:v55+s12+$0x0], $0xffff;
	v58 =	vor.u32 v1, v8  }
0x1cc: {  	v59 =	vor.u32 s31, v2;
	_ =	sdelay $0x3  }
0x1cd: {  	[tilespmem:v58+s13+$0x0] =	vst.idx.msk $0xffff, v57  }
0x1ce: {  	v60 =	vor.u32 v3, v8;
	v9 =	vld.idx.msk [tilespmem:v59+s12+$0x0], $0xffff  }
0x1cf: {  	v61 =	vor.u32 s31, v4;
	_ =	sdelay $0x3  }
0x1d0: {  	[tilespmem:v60+s13+$0x0] =	vst.idx.msk $0xffff, v9  }
0x1d1: {  	v62 =	vor.u32 v5, v8;
	v9 =	vld.idx.msk [tilespmem:v61+s12+$0x0], $0xffff  }
0x1d2: {  	v63 =	vor.u32 s31, v6;
	_ =	sdelay $0x3  }
0x1d3: {  	[tilespmem:v62+s13+$0x0] =	vst.idx.msk $0xffff, v9  }
0x1d4: {  	p0 =	sne.s32 s17, $0xFF;
	v8 =	vor.u32 v7, v8;
	v9 =	vld.idx.msk [tilespmem:v63+s12+$0x0], $0xffff  }
.Ltmp0:
0x1d5: {  	_ = 	snop;
	(pc) =	sbr.rel @p0 .LBB2_2-.Ltmp0, $2  }
0x1d6: {  	_ =	sdelay $0x2  }
0x1d7: {  	s18 =	sadd.s32 $0x10, s18;
	s17 =	sadd.s32 $0x10, s17;
	[tilespmem:v8+s13+$0x0] =	vst.idx.msk $0xffff, v9  }
0x1d8: {  	s16 =	sadd.s32 $0x1, s16  }
0x1d9: {  	p0 =	sne.s32 s16, s6  }
.Ltmp1:
0x1da: {  	_ = 	snop;
	(pc) =	sbr.rel @p0 .LBB2_1-.Ltmp1, $4  }
0x1db: {  	[hbm4b:s5+s14] =	stream.strided.scatter [tilespmem:s13], [sflag:$0x2], $0x4000, s15, s14, $0x38;
	[tilespmem:$0x8100] =	vst v63  }
0x1dc: {  	_ =	swait.ge [sflag:s7], $0x4000  }
0x1dd: {  	[sflag:s7] =	ssyncset.done $0x0  }
0x1de: {  	[sflag:s7] =	ssyncadd.s32 $0xFFFFC000  }
0x1df: {  	_ =	sfence.sel $0x180000  }
0x1e0: {  	[bflag:$0x0] =	sbarrier.arrive $0xFFFF  }
0x1e1: {  	p0 =	sne.s32 s2, $0x0;
	_ =	strace $0x90000047  }
0x1e2: {  	s0 =	sadd.s32 @!p0 $0x100000, s1;
	[bflag:$0x2] =	sbarrier.arrive $0xFFFF  }
0x1e3: {  	[sflag:s0] =	ssyncadd.tile.s32 @!p0 $0x1;
	_ =	shalt  }
.Lfunc_end2:
_tile_overlayer_lowered:
.L_overlay_start_2:
0x1e4: {  	(tag) =	ssettag $0x2  }
0x1e5: {  	s0 =	rddreg [dreg:$0x0];
	s2 =	stileid.u32  }
0x1e6: {  	s1 =	rddreg [dreg:$0x1];
	p0 =	sne.s32 s2, $0x0  }
0x1e7: {  	s3 =	rddreg [dreg:$0x2];
	[bflag:$0x3] =	sbarrier.arrive $0xFFFF;
	s2 =	simm.s32 @!p0 $0x1C02  }
0x1e8: {  	[timem:s3], [sflag:s2] =	dma.local @!p0 [hbm:s0], s1  }
0x1e9: {  	s0 =	simm.s32 @!p0 $0x2  }
0x1ea: {  	_ =	swait.ge @!p0 [sflag:s0], s1  }
0x1eb: {  	s1 =	ssub.s32 @!p0 $0x0, s1;
	[sflag:s0] =	ssyncset.done @!p0 $0x0  }
0x1ec: {  	[sflag:s0] =	ssyncadd.s32 @!p0 s1  }
0x1ed: {  	[bflag:$0x3] =	sbarrier.arrive $0xFFFF  }
0x1ee: {  	_ =	shalt  }

</sc_bundles>
